<compile_context>
chip_gen: v7x
topology: tpu7x:2x2x1
jax: 0.10.2.dev20260603
libtpu: 0.0.44.dev20260713+nightly
codegen_flags: <defaults>
</compile_context>

<pallas_src>
import jax
import jax.numpy as jnp
from jax.experimental import pallas as pl
import jax.experimental.pallas.tpu as pltpu

NUM_GROUPS = 512
GROUP_SIZE = 32
B = 4
N = 8192


def _fps_kernel(x_ref, y_ref, z_ref, cx_ref, cy_ref, cz_ref):
    x = x_ref[...]
    y = y_ref[...]
    z = z_ref[...]
    px = x[:, 0:1]
    py = y[:, 0:1]
    pz = z[:, 0:1]
    dx = x - px
    dy = y - py
    dz = z - pz
    min_d0 = (dx * dx + dy * dy) + dz * dz

    iota = jax.lax.broadcasted_iota(jnp.int32, (B, N), 1)
    iota_g = jax.lax.broadcasted_iota(jnp.int32, (B, NUM_GROUPS), 1)
    cx0 = jnp.where(iota_g == 0, px, 0.0)
    cy0 = jnp.where(iota_g == 0, py, 0.0)
    cz0 = jnp.where(iota_g == 0, pz, 0.0)

    def body(i, carry):
        min_d, cx, cy, cz = carry
        m = jnp.max(min_d, axis=1, keepdims=True)
        nxt = jnp.min(jnp.where(min_d == m, iota, N), axis=1, keepdims=True)
        hit = iota == nxt
        px = jnp.sum(jnp.where(hit, x, 0.0), axis=1, keepdims=True)
        py = jnp.sum(jnp.where(hit, y, 0.0), axis=1, keepdims=True)
        pz = jnp.sum(jnp.where(hit, z, 0.0), axis=1, keepdims=True)
        sel = iota_g == i
        cx = jnp.where(sel, px, cx)
        cy = jnp.where(sel, py, cy)
        cz = jnp.where(sel, pz, cz)
        dx = x - px
        dy = y - py
        dz = z - pz
        d = (dx * dx + dy * dy) + dz * dz
        return jnp.minimum(min_d, d), cx, cy, cz

    _, cx, cy, cz = jax.lax.fori_loop(1, NUM_GROUPS, body,
                                      (min_d0, cx0, cy0, cz0))
    cx_ref[...] = cx
    cy_ref[...] = cy
    cz_ref[...] = cz


def _fps_pallas(xyz):
    xt = jnp.transpose(xyz, (0, 2, 1))
    x = xt[:, 0, :]
    y = xt[:, 1, :]
    z = xt[:, 2, :]
    cx, cy, cz = pl.pallas_call(
        _fps_kernel,
        out_shape=[jax.ShapeDtypeStruct((B, NUM_GROUPS), jnp.float32)] * 3,
    )(x, y, z)
    return jnp.stack([cx, cy, cz], axis=-1)


TG = 128
R = 5
SB = 64
LN = 128
BIGI = 2 ** 30


def _knn_kernel(ct_ref, xt_ref, oi_ref,
                dref, pv_ref, pi_ref):
    ct = ct_ref[...].reshape(TG, 3)
    xt = xt_ref[...].reshape(3, N)
    cx = ct[:, 0:1]
    cy = ct[:, 1:2]
    cz = ct[:, 2:3]
    xr = xt[0:1, :]
    yr = xt[1:2, :]
    zr = xt[2:3, :]
    cn = (cx * cx + cy * cy) + cz * cz
    xn = (xr * xr + yr * yr) + zr * zr
    mm = jax.lax.dot_general(ct, xt, (((1,), (0,)), ((), ())),
                             preferred_element_type=jnp.float32)
    d3 = ((cn + xn) - 2.0 * mm).reshape(TG, SB, LN)
    dref[...] = d3

    si = jax.lax.broadcasted_iota(jnp.int32, (TG, SB, LN), 1)
    li = jax.lax.broadcasted_iota(jnp.int32, (TG, SB, LN), 2)
    l2 = jax.lax.broadcasted_iota(jnp.int32, (TG, LN), 1)
    iota32 = jax.lax.broadcasted_iota(jnp.int32, (TG, GROUP_SIZE), 1)
    inf = jnp.float32(jnp.inf)

    def round_body(r, _):
        dcur = dref[...]
        m = jnp.min(dcur, axis=1)
        eq = dcur == m[:, None, :]
        cand = jnp.where(eq, si, SB)
        am = jnp.min(cand, axis=1)
        hit = cand == am[:, None, :]
        pv_ref[pl.ds(r, 1)] = m.reshape(1, TG, LN)
        pi_ref[pl.ds(r, 1)] = (am * LN + l2).reshape(1, TG, LN)
        dref[...] = jnp.where(hit, inf, dcur)
        return 0

    jax.lax.fori_loop(0, R, round_body, 0)

    lastv = pv_ref[R - 1]
    lasti = pi_ref[R - 1]

    pv = jnp.concatenate([pv_ref[i] for i in range(R)], axis=1)
    pi = jnp.concatenate([pi_ref[i] for i in range(R)], axis=1)

    zero_i = jnp.zeros((TG, GROUP_SIZE), jnp.int32)

    def merge_body(k, carry):
        pv, oi, _, _ = carry
        mrow = jnp.min(pv, axis=1, keepdims=True)
        eqm = pv == mrow
        nxt = jnp.min(jnp.where(eqm, pi, BIGI), axis=1, keepdims=True)
        hit = eqm & (pi == nxt)
        pv = jnp.where(hit, inf, pv)
        oi = jnp.where(iota32 == k, nxt, oi)
        return (pv, oi, mrow, nxt)

    _, oi, vstar, istar = jax.lax.fori_loop(
        0, GROUP_SIZE, merge_body,
        (pv, zero_i,
         jnp.zeros((TG, 1), jnp.float32), jnp.zeros((TG, 1), jnp.int32)))

    okc = (lastv > vstar) | ((lastv == vstar) & (lasti > istar))
    pred = jnp.min(okc.astype(jnp.int32)) == 1

    def fallback():
        mm2 = jax.lax.dot_general(ct, xt, (((1,), (0,)), ((), ())),
                                  preferred_element_type=jnp.float32)
        d0 = ((cn + xn) - 2.0 * mm2).reshape(TG, SB, LN)
        gi3 = si * LN + li

        def fkb(k, carry):
            dcur, oi = carry
            mrow = jnp.min(jnp.min(dcur, axis=1), axis=1, keepdims=True)
            eq = dcur == mrow[:, :, None]
            cand = jnp.where(eq, gi3, BIGI)
            nxt = jnp.min(jnp.min(cand, axis=1), axis=1, keepdims=True)
            hit = cand == nxt[:, :, None]
            dcur = jnp.where(hit, inf, dcur)
            oi = jnp.where(iota32 == k, nxt, oi)
            return (dcur, oi)

        _, fi = jax.lax.fori_loop(0, GROUP_SIZE, fkb, (d0, zero_i))
        return fi

    oif = jax.lax.cond(pred, lambda: oi, fallback)
    oi_ref[...] = oif.reshape(1, TG, GROUP_SIZE)


def _knn_idx_pallas(centers, xyz):
    xt = jnp.transpose(xyz, (0, 2, 1))
    oi = pl.pallas_call(
        _knn_kernel,
        out_shape=jax.ShapeDtypeStruct((B, NUM_GROUPS, GROUP_SIZE),
                                       jnp.int32),
        grid=(B, NUM_GROUPS // TG),
        in_specs=[
            pl.BlockSpec((1, TG, 3), lambda b, g: (b, g, 0)),
            pl.BlockSpec((1, 3, N), lambda b, g: (b, 0, 0)),
        ],
        out_specs=pl.BlockSpec((1, TG, GROUP_SIZE), lambda b, g: (b, g, 0)),
        scratch_shapes=[
            pltpu.VMEM((TG, SB, LN), jnp.float32),
            pltpu.VMEM((R, TG, LN), jnp.float32),
            pltpu.VMEM((R, TG, LN), jnp.int32),
        ],
    )(centers, xt)
    return oi


NW = 32
ROWS = B * NUM_GROUPS * GROUP_SIZE
RPW = ROWS // NW
NCK = RPW // 128
DP = 16


def _sc_gather_kernel(table_hbm, negctr_hbm, idx_hbm, cidx_hbm,
                      out_hbm, idx_v, cidx_v, rows_v, ctr_v,
                      sem_i, sem_g, sem_c):
    wid = jax.lax.axis_index("s") * 2 + jax.lax.axis_index("c")
    pltpu.async_copy(idx_hbm.at[wid], idx_v, sem_i)
    pltpu.async_copy(cidx_hbm.at[wid], cidx_v, sem_i)
    pltpu.make_async_copy(idx_hbm.at[wid], idx_v, sem_i).wait()
    pltpu.make_async_copy(cidx_hbm.at[wid], cidx_v, sem_i).wait()
    for j in range(NCK):
        pltpu.async_copy(table_hbm.at[idx_v.at[j]],
                         rows_v.at[pl.ds(j * 128, 128)], sem_g)
        pltpu.async_copy(negctr_hbm.at[cidx_v.at[j]],
                         ctr_v.at[pl.ds(j * 128, 128)], sem_c)
    for j in range(NCK):
        pltpu.make_async_copy(table_hbm.at[idx_v.at[j]],
                              rows_v.at[pl.ds(j * 128, 128)], sem_g).wait()
        pltpu.make_async_copy(negctr_hbm.at[cidx_v.at[j]],
                              ctr_v.at[pl.ds(j * 128, 128)], sem_c).wait()
    def _sub_body(i, _):
        rows_v[i, :] = rows_v[i, :] + ctr_v[i, :]
        return 0

    jax.lax.fori_loop(0, RPW, _sub_body, 0)
    pltpu.sync_copy(rows_v, out_hbm.at[pl.ds(wid * RPW, RPW)])


def _sc_gather(points, centers, idx):
    from jax.experimental.pallas import tpu_sc as plsc
    table = jnp.pad(points.reshape(B * N, 3), ((0, 0), (0, DP - 3)))
    negctr = jnp.pad((-centers).reshape(B * NUM_GROUPS, 3),
                     ((0, 0), (0, DP - 3)))
    boff = (jnp.arange(B, dtype=jnp.int32) * N)[:, None, None]
    fidx = (idx + boff).reshape(NW, NCK, 128)
    cidx = (jnp.arange(ROWS, dtype=jnp.int32) // GROUP_SIZE
            ).reshape(NW, NCK, 128)
    mesh = plsc.VectorSubcoreMesh(core_axis_name="c", subcore_axis_name="s")
    import functools
    k = functools.partial(
        pl.kernel, mesh=mesh,
        compiler_params=pltpu.CompilerParams(use_tc_tiling_on_sc=False),
        out_type=jax.ShapeDtypeStruct((ROWS, DP), jnp.float32),
        scratch_types=[
            pltpu.VMEM((NCK, 128), jnp.int32),
            pltpu.VMEM((NCK, 128), jnp.int32),
            pltpu.VMEM((RPW, DP), jnp.float32),
            pltpu.VMEM((RPW, DP), jnp.float32),
            pltpu.SemaphoreType.DMA,
            pltpu.SemaphoreType.DMA,
            pltpu.SemaphoreType.DMA,
        ])(_sc_gather_kernel)
    out = k(table, negctr, fidx, cidx)
    return out[:, :3].reshape(B, NUM_GROUPS, GROUP_SIZE, 3)


def kernel(points):
    xyz = points[:, :, :3]
    centers = _fps_pallas(xyz)
    idx = _knn_idx_pallas(centers, xyz)
    groups = _sc_gather(points, centers, idx)
    return groups, centers

# --- scband reference (transcript-rebuilt; emitter-appended) ---
"""Pipeline reference for scband-pointcloud-grouping-23974507446931 (READ-ONLY COPY).

The authoritative reference and input builder live on the scoring server;
editing this copy changes nothing except your own understanding.
"""

import jax, jax.numpy as jnp
import numpy as np

NUM_GROUPS = 512
GROUP_SIZE = 32


def _fps(xyz, K):
    # Farthest point sampling. Torch's sample_farthest_points uses a random
    # start point; here we use a deterministic start index 0 for reproducibility.
    B, N, _ = xyz.shape
    sel0 = jnp.zeros((B, K), dtype=jnp.int32)
    d0 = jnp.sum((xyz - xyz[:, 0:1, :]) ** 2, axis=-1)  # [B, N]

    def body(carry, i):
        sel, min_d = carry
        nxt = jnp.argmax(min_d, axis=1).astype(jnp.int32)  # [B]
        sel = sel.at[:, i].set(nxt)
        p = jnp.take_along_axis(xyz, nxt[:, None, None], axis=1)  # [B,1,3]
        d = jnp.sum((xyz - p) ** 2, axis=-1)
        min_d = jnp.minimum(min_d, d)
        return (sel, min_d), None

    (sel, _), _ = jax.lax.scan(body, (sel0, d0), jnp.arange(1, K))
    centers = jnp.take_along_axis(xyz, sel[:, :, None], axis=1)  # [B,K,3]
    return centers


def _knn_idx(centers, xyz, K):
    # squared euclidean distances [B, G, N]
    d = (jnp.sum(centers ** 2, axis=-1)[:, :, None]
         + jnp.sum(xyz ** 2, axis=-1)[:, None, :]
         - 2.0 * jnp.einsum('bgc,bnc->bgn', centers, xyz))
    _, idx = jax.lax.top_k(-d, K)  # K nearest (unsorted order ok)
    return idx


def _forward(points):
    xyz = points[:, :, :3]
    centers = _fps(xyz, NUM_GROUPS)  # [B, G, 3]
    idx = _knn_idx(centers, xyz, GROUP_SIZE)  # [B, G, K]
    # knn_gather: groups[b, g, k, :] = points[b, idx[b, g, k], :]
    groups = jax.vmap(lambda p, i: p[i])(points, idx)  # [B, G, K, C]
    # center the xyz coords (group_radius is None -> no radius normalization)
    groups = groups.at[:, :, :, :3].add(-centers[:, :, None, :])
    return groups, centers


def setup_inputs(seed: int = 0) -> dict:
    key = jax.random.key(seed)
    points = jax.random.normal(key, (4, 8192, 3), dtype=jnp.float32)
    return {"points": points}


def reference(points):
    return _forward(points)

if __name__ == "__main__":
    import jax
    _d = setup_inputs()
    print(jax.jit(kernel)(*tuple(_d.values())))

</pallas_src>

<mosaic_0001>
#map = affine_map<(d0, d1) -> (0, 0)>
#map1 = affine_map<(d0, d1) -> (0, 0, 0)>
module attributes {stable_mosaic.version = 14 : i64} {
  func.func @_sc_gather_kernel(%arg0: i32, %arg1: i32, %arg2: memref<32768x16xf32, #tpu.memory_space<hbm>>, %arg3: memref<2048x16xf32, #tpu.memory_space<hbm>>, %arg4: memref<32x16x128xi32, #tpu.memory_space<hbm>>, %arg5: memref<32x16x128xi32, #tpu.memory_space<hbm>>, %arg6: memref<65536x16xf32, #tpu.memory_space<hbm>>, %arg7: memref<16x128xi32, #tpu.memory_space<vmem>>, %arg8: memref<16x128xi32, #tpu.memory_space<vmem>>, %arg9: memref<2048x16xf32, #tpu.memory_space<vmem>>, %arg10: memref<2048x16xf32, #tpu.memory_space<vmem>>, %arg11: memref<!tpu.dma_semaphore, #tpu.memory_space<semaphore_mem>>, %arg12: memref<!tpu.dma_semaphore, #tpu.memory_space<semaphore_mem>>, %arg13: memref<!tpu.dma_semaphore, #tpu.memory_space<semaphore_mem>>) attributes {dimension_semantics = [#tpu.dimension_semantics<core_parallel>, #tpu.dimension_semantics<subcore_parallel>], iteration_bounds = array<i64: 2, 16>, scalar_prefetch = 0 : i64, scratch_operands = 7 : i64, tpu.core_type = #tpu.core_type<sc_vector_subcore>, window_params = [{transform_indices = #map}, {transform_indices = #map}, {transform_indices = #map1}, {transform_indices = #map1}, {transform_indices = #map}]} {
    %mul3A = arith.constant 2 : i32
    %mul3A_0 = arith.muli %arg1, %mul3A : i32
    %add3A = arith.addi %mul3A_0, %arg0 : i32
    %dma_start3A = arith.constant 0 : i32
    %dma_start3A_1 = arith.constant 0 : i32
    %dma_start3A_2 = tpu.memref_slice %arg4[%add3A, %dma_start3A, %dma_start3A_1] : memref<32x16x128xi32, #tpu.memory_space<hbm>> -> memref<1x16x128xi32, #tpu.memory_space<hbm>>
    %dma_start3A_3 = tpu.memref_squeeze %dma_start3A_2 : memref<1x16x128xi32, #tpu.memory_space<hbm>> -> memref<16x128xi32, #tpu.memory_space<hbm>>
    %dma_start3A_4 = arith.constant 0 : i32
    %dma_start3A_5 = arith.constant 0 : i32
    %dma_start3A_6 = tpu.memref_slice %arg4[%add3A, %dma_start3A_4, %dma_start3A_5] : memref<32x16x128xi32, #tpu.memory_space<hbm>> -> memref<1x16x128xi32, #tpu.memory_space<hbm>>
    %dma_start3A_7 = tpu.memref_squeeze %dma_start3A_6 : memref<1x16x128xi32, #tpu.memory_space<hbm>> -> memref<16x128xi32, #tpu.memory_space<hbm>>
    tpu.enqueue_dma source(%dma_start3A_7 : memref<16x128xi32, #tpu.memory_space<hbm>>) target(%arg7 : memref<16x128xi32, #tpu.memory_space<vmem>>) target_semaphore(%arg11 : memref<!tpu.dma_semaphore, #tpu.memory_space<semaphore_mem>>)
    %dma_start3A_8 = arith.constant 0 : i32
    %dma_start3A_9 = arith.constant 0 : i32
    %dma_start3A_10 = tpu.memref_slice %arg5[%add3A, %dma_start3A_8, %dma_start3A_9] : memref<32x16x128xi32, #tpu.memory_space<hbm>> -> memref<1x16x128xi32, #tpu.memory_space<hbm>>
    %dma_start3A_11 = tpu.memref_squeeze %dma_start3A_10 : memref<1x16x128xi32, #tpu.memory_space<hbm>> -> memref<16x128xi32, #tpu.memory_space<hbm>>
    %dma_start3A_12 = arith.constant 0 : i32
    %dma_start3A_13 = arith.constant 0 : i32
    %dma_start3A_14 = tpu.memref_slice %arg5[%add3A, %dma_start3A_12, %dma_start3A_13] : memref<32x16x128xi32, #tpu.memory_space<hbm>> -> memref<1x16x128xi32, #tpu.memory_space<hbm>>
    %dma_start3A_15 = tpu.memref_squeeze %dma_start3A_14 : memref<1x16x128xi32, #tpu.memory_space<hbm>> -> memref<16x128xi32, #tpu.memory_space<hbm>>
    tpu.enqueue_dma source(%dma_start3A_15 : memref<16x128xi32, #tpu.memory_space<hbm>>) target(%arg8 : memref<16x128xi32, #tpu.memory_space<vmem>>) target_semaphore(%arg11 : memref<!tpu.dma_semaphore, #tpu.memory_space<semaphore_mem>>)
    %dma_wait3A = arith.constant 0 : i32
    %dma_wait3A_16 = arith.constant 0 : i32
    %dma_wait3A_17 = tpu.memref_slice %arg4[%add3A, %dma_wait3A, %dma_wait3A_16] : memref<32x16x128xi32, #tpu.memory_space<hbm>> -> memref<1x16x128xi32, #tpu.memory_space<hbm>>
    %dma_wait3A_18 = tpu.memref_squeeze %dma_wait3A_17 : memref<1x16x128xi32, #tpu.memory_space<hbm>> -> memref<16x128xi32, #tpu.memory_space<hbm>>
    %dma_wait3A_19 = arith.constant 0 : i32
    %dma_wait3A_20 = arith.constant 0 : i32
    %dma_wait3A_21 = tpu.memref_slice %arg4[%add3A, %dma_wait3A_19, %dma_wait3A_20] : memref<32x16x128xi32, #tpu.memory_space<hbm>> -> memref<1x16x128xi32, #tpu.memory_space<hbm>>
    %dma_wait3A_22 = tpu.memref_squeeze %dma_wait3A_21 : memref<1x16x128xi32, #tpu.memory_space<hbm>> -> memref<16x128xi32, #tpu.memory_space<hbm>>
    tpu.wait_dma2 semaphore(%arg11 : memref<!tpu.dma_semaphore, #tpu.memory_space<semaphore_mem>>) src(%dma_wait3A_22 : memref<16x128xi32, #tpu.memory_space<hbm>>) dst(%arg7 : memref<16x128xi32, #tpu.memory_space<vmem>>)
    %dma_wait3A_23 = arith.constant 0 : i32
    %dma_wait3A_24 = arith.constant 0 : i32
    %dma_wait3A_25 = tpu.memref_slice %arg5[%add3A, %dma_wait3A_23, %dma_wait3A_24] : memref<32x16x128xi32, #tpu.memory_space<hbm>> -> memref<1x16x128xi32, #tpu.memory_space<hbm>>
    %dma_wait3A_26 = tpu.memref_squeeze %dma_wait3A_25 : memref<1x16x128xi32, #tpu.memory_space<hbm>> -> memref<16x128xi32, #tpu.memory_space<hbm>>
    %dma_wait3A_27 = arith.constant 0 : i32
    %dma_wait3A_28 = arith.constant 0 : i32
    %dma_wait3A_29 = tpu.memref_slice %arg5[%add3A, %dma_wait3A_27, %dma_wait3A_28] : memref<32x16x128xi32, #tpu.memory_space<hbm>> -> memref<1x16x128xi32, #tpu.memory_space<hbm>>
    %dma_wait3A_30 = tpu.memref_squeeze %dma_wait3A_29 : memref<1x16x128xi32, #tpu.memory_space<hbm>> -> memref<16x128xi32, #tpu.memory_space<hbm>>
    tpu.wait_dma2 semaphore(%arg11 : memref<!tpu.dma_semaphore, #tpu.memory_space<semaphore_mem>>) src(%dma_wait3A_30 : memref<16x128xi32, #tpu.memory_space<hbm>>) dst(%arg8 : memref<16x128xi32, #tpu.memory_space<vmem>>)
    %dma_start3A_31 = arith.constant 0 : i32
    %dma_start3A_32 = arith.constant 0 : i32
    %dma_start3A_33 = arith.constant 0 : i32
    %dma_start3A_34 = tpu.memref_slice %arg9[%dma_start3A_32, %dma_start3A_33] : memref<2048x16xf32, #tpu.memory_space<vmem>> -> memref<128x16xf32, #tpu.memory_space<vmem>>
    %dma_start3A_35 = arith.constant 0 : i32
    %dma_start3A_36 = tpu.memref_slice %arg7[%dma_start3A_31, %dma_start3A_35] : memref<16x128xi32, #tpu.memory_space<vmem>> -> memref<1x128xi32, #tpu.memory_space<vmem>>
    %dma_start3A_37 = tpu.memref_squeeze %dma_start3A_36 : memref<1x128xi32, #tpu.memory_space<vmem>> -> memref<128xi32, #tpu.memory_space<vmem>>
    %dma_start3A_38 = arith.constant 0 : i32
    %dma_start3A_39 = arith.constant 0 : i32
    %dma_start3A_40 = tpu.memref_slice %arg2[%dma_start3A_38, %dma_start3A_39] : memref<32768x16xf32, #tpu.memory_space<hbm>> -> memref<32768x16xf32, #tpu.memory_space<hbm>>
    tpu.enqueue_indirect_dma source(%dma_start3A_40 : memref<32768x16xf32, #tpu.memory_space<hbm>>) target(%dma_start3A_34 : memref<128x16xf32, #tpu.memory_space<vmem>>) offsets(%dma_start3A_37 : memref<128xi32, #tpu.memory_space<vmem>>) semaphore(%arg12 : memref<!tpu.dma_semaphore, #tpu.memory_space<semaphore_mem>>)
    %dma_start3A_41 = arith.constant 0 : i32
    %dma_start3A_42 = arith.constant 0 : i32
    %dma_start3A_43 = arith.constant 0 : i32
    %dma_start3A_44 = tpu.memref_slice %arg10[%dma_start3A_42, %dma_start3A_43] : memref<2048x16xf32, #tpu.memory_space<vmem>> -> memref<128x16xf32, #tpu.memory_space<vmem>>
    %dma_start3A_45 = arith.constant 0 : i32
    %dma_start3A_46 = tpu.memref_slice %arg8[%dma_start3A_41, %dma_start3A_45] : memref<16x128xi32, #tpu.memory_space<vmem>> -> memref<1x128xi32, #tpu.memory_space<vmem>>
    %dma_start3A_47 = tpu.memref_squeeze %dma_start3A_46 : memref<1x128xi32, #tpu.memory_space<vmem>> -> memref<128xi32, #tpu.memory_space<vmem>>
    %dma_start3A_48 = arith.constant 0 : i32
    %dma_start3A_49 = arith.constant 0 : i32
    %dma_start3A_50 = tpu.memref_slice %arg3[%dma_start3A_48, %dma_start3A_49] : memref<2048x16xf32, #tpu.memory_space<hbm>> -> memref<2048x16xf32, #tpu.memory_space<hbm>>
    tpu.enqueue_indirect_dma source(%dma_start3A_50 : memref<2048x16xf32, #tpu.memory_space<hbm>>) target(%dma_start3A_44 : memref<128x16xf32, #tpu.memory_space<vmem>>) offsets(%dma_start3A_47 : memref<128xi32, #tpu.memory_space<vmem>>) semaphore(%arg13 : memref<!tpu.dma_semaphore, #tpu.memory_space<semaphore_mem>>)
    %dma_start3A_51 = arith.constant 1 : i32
    %dma_start3A_52 = arith.constant 128 : i32
    %dma_start3A_53 = arith.constant 0 : i32
    %dma_start3A_54 = tpu.memref_slice %arg9[%dma_start3A_52, %dma_start3A_53] : memref<2048x16xf32, #tpu.memory_space<vmem>> -> memref<128x16xf32, #tpu.memory_space<vmem>>
    %dma_start3A_55 = arith.constant 0 : i32
    %dma_start3A_56 = tpu.memref_slice %arg7[%dma_start3A_51, %dma_start3A_55] : memref<16x128xi32, #tpu.memory_space<vmem>> -> memref<1x128xi32, #tpu.memory_space<vmem>>
    %dma_start3A_57 = tpu.memref_squeeze %dma_start3A_56 : memref<1x128xi32, #tpu.memory_space<vmem>> -> memref<128xi32, #tpu.memory_space<vmem>>
    %dma_start3A_58 = arith.constant 0 : i32
    %dma_start3A_59 = arith.constant 0 : i32
    %dma_start3A_60 = tpu.memref_slice %arg2[%dma_start3A_58, %dma_start3A_59] : memref<32768x16xf32, #tpu.memory_space<hbm>> -> memref<32768x16xf32, #tpu.memory_space<hbm>>
    tpu.enqueue_indirect_dma source(%dma_start3A_60 : memref<32768x16xf32, #tpu.memory_space<hbm>>) target(%dma_start3A_54 : memref<128x16xf32, #tpu.memory_space<vmem>>) offsets(%dma_start3A_57 : memref<128xi32, #tpu.memory_space<vmem>>) semaphore(%arg12 : memref<!tpu.dma_semaphore, #tpu.memory_space<semaphore_mem>>)
    %dma_start3A_61 = arith.constant 1 : i32
    %dma_start3A_62 = arith.constant 128 : i32
    %dma_start3A_63 = arith.constant 0 : i32
    %dma_start3A_64 = tpu.memref_slice %arg10[%dma_start3A_62, %dma_start3A_63] : memref<2048x16xf32, #tpu.memory_space<vmem>> -> memref<128x16xf32, #tpu.memory_space<vmem>>
    %dma_start3A_65 = arith.constant 0 : i32
    %dma_start3A_66 = tpu.memref_slice %arg8[%dma_start3A_61, %dma_start3A_65] : memref<16x128xi32, #tpu.memory_space<vmem>> -> memref<1x128xi32, #tpu.memory_space<vmem>>
    %dma_start3A_67 = tpu.memref_squeeze %dma_start3A_66 : memref<1x128xi32, #tpu.memory_space<vmem>> -> memref<128xi32, #tpu.memory_space<vmem>>
    %dma_start3A_68 = arith.constant 0 : i32
    %dma_start3A_69 = arith.constant 0 : i32
    %dma_start3A_70 = tpu.memref_slice %arg3[%dma_start3A_68, %dma_start3A_69] : memref<2048x16xf32, #tpu.memory_space<hbm>> -> memref<2048x16xf32, #tpu.memory_space<hbm>>
    tpu.enqueue_indirect_dma source(%dma_start3A_70 : memref<2048x16xf32, #tpu.memory_space<hbm>>) target(%dma_start3A_64 : memref<128x16xf32, #tpu.memory_space<vmem>>) offsets(%dma_start3A_67 : memref<128xi32, #tpu.memory_space<vmem>>) semaphore(%arg13 : memref<!tpu.dma_semaphore, #tpu.memory_space<semaphore_mem>>)
    %dma_start3A_71 = arith.constant 2 : i32
    %dma_start3A_72 = arith.constant 256 : i32
    %dma_start3A_73 = arith.constant 0 : i32
    %dma_start3A_74 = tpu.memref_slice %arg9[%dma_start3A_72, %dma_start3A_73] : memref<2048x16xf32, #tpu.memory_space<vmem>> -> memref<128x16xf32, #tpu.memory_space<vmem>>
    %dma_start3A_75 = arith.constant 0 : i32
    %dma_start3A_76 = tpu.memref_slice %arg7[%dma_start3A_71, %dma_start3A_75] : memref<16x128xi32, #tpu.memory_space<vmem>> -> memref<1x128xi32, #tpu.memory_space<vmem>>
    %dma_start3A_77 = tpu.memref_squeeze %dma_start3A_76 : memref<1x128xi32, #tpu.memory_space<vmem>> -> memref<128xi32, #tpu.memory_space<vmem>>
    %dma_start3A_78 = arith.constant 0 : i32
    %dma_start3A_79 = arith.constant 0 : i32
    %dma_start3A_80 = tpu.memref_slice %arg2[%dma_start3A_78, %dma_start3A_79] : memref<32768x16xf32, #tpu.memory_space<hbm>> -> memref<32768x16xf32, #tpu.memory_space<hbm>>
    tpu.enqueue_indirect_dma source(%dma_start3A_80 : memref<32768x16xf32, #tpu.memory_space<hbm>>) target(%dma_start3A_74 : memref<128x16xf32, #tpu.memory_space<vmem>>) offsets(%dma_start3A_77 : memref<128xi32, #tpu.memory_space<vmem>>) semaphore(%arg12 : memref<!tpu.dma_semaphore, #tpu.memory_space<semaphore_mem>>)
    %dma_start3A_81 = arith.constant 2 : i32
    %dma_start3A_82 = arith.constant 256 : i32
    %dma_start3A_83 = arith.constant 0 : i32
    %dma_start3A_84 = tpu.memref_slice %arg10[%dma_start3A_82, %dma_start3A_83] : memref<2048x16xf32, #tpu.memory_space<vmem>> -> memref<128x16xf32, #tpu.memory_space<vmem>>
    %dma_start3A_85 = arith.constant 0 : i32
    %dma_start3A_86 = tpu.memref_slice %arg8[%dma_start3A_81, %dma_start3A_85] : memref<16x128xi32, #tpu.memory_space<vmem>> -> memref<1x128xi32, #tpu.memory_space<vmem>>
    %dma_start3A_87 = tpu.memref_squeeze %dma_start3A_86 : memref<1x128xi32, #tpu.memory_space<vmem>> -> memref<128xi32, #tpu.memory_space<vmem>>
    %dma_start3A_88 = arith.constant 0 : i32
    %dma_start3A_89 = arith.constant 0 : i32
    %dma_start3A_90 = tpu.memref_slice %arg3[%dma_start3A_88, %dma_start3A_89] : memref<2048x16xf32, #tpu.memory_space<hbm>> -> memref<2048x16xf32, #tpu.memory_space<hbm>>
    tpu.enqueue_indirect_dma source(%dma_start3A_90 : memref<2048x16xf32, #tpu.memory_space<hbm>>) target(%dma_start3A_84 : memref<128x16xf32, #tpu.memory_space<vmem>>) offsets(%dma_start3A_87 : memref<128xi32, #tpu.memory_space<vmem>>) semaphore(%arg13 : memref<!tpu.dma_semaphore, #tpu.memory_space<semaphore_mem>>)
    %dma_start3A_91 = arith.constant 3 : i32
    %dma_start3A_92 = arith.constant 384 : i32
    %dma_start3A_93 = arith.constant 0 : i32
    %dma_start3A_94 = tpu.memref_slice %arg9[%dma_start3A_92, %dma_start3A_93] : memref<2048x16xf32, #tpu.memory_space<vmem>> -> memref<128x16xf32, #tpu.memory_space<vmem>>
    %dma_start3A_95 = arith.constant 0 : i32
    %dma_start3A_96 = tpu.memref_slice %arg7[%dma_start3A_91, %dma_start3A_95] : memref<16x128xi32, #tpu.memory_space<vmem>> -> memref<1x128xi32, #tpu.memory_space<vmem>>
    %dma_start3A_97 = tpu.memref_squeeze %dma_start3A_96 : memref<1x128xi32, #tpu.memory_space<vmem>> -> memref<128xi32, #tpu.memory_space<vmem>>
    %dma_start3A_98 = arith.constant 0 : i32
    %dma_start3A_99 = arith.constant 0 : i32
    %dma_start3A_100 = tpu.memref_slice %arg2[%dma_start3A_98, %dma_start3A_99] : memref<32768x16xf32, #tpu.memory_space<hbm>> -> memref<32768x16xf32, #tpu.memory_space<hbm>>
    tpu.enqueue_indirect_dma source(%dma_start3A_100 : memref<32768x16xf32, #tpu.memory_space<hbm>>) target(%dma_start3A_94 : memref<128x16xf32, #tpu.memory_space<vmem>>) offsets(%dma_start3A_97 : memref<128xi32, #tpu.memory_space<vmem>>) semaphore(%arg12 : memref<!tpu.dma_semaphore, #tpu.memory_space<semaphore_mem>>)
    %dma_start3A_101 = arith.constant 3 : i32
    %dma_start3A_102 = arith.constant 384 : i32
    %dma_start3A_103 = arith.constant 0 : i32
    %dma_start3A_104 = tpu.memref_slice %arg10[%dma_start3A_102, %dma_start3A_103] : memref<2048x16xf32, #tpu.memory_space<vmem>> -> memref<128x16xf32, #tpu.memory_space<vmem>>
    %dma_start3A_105 = arith.constant 0 : i32
    %dma_start3A_106 = tpu.memref_slice %arg8[%dma_start3A_101, %dma_start3A_105] : memref<16x128xi32, #tpu.memory_space<vmem>> -> memref<1x128xi32, #tpu.memory_space<vmem>>
    %dma_start3A_107 = tpu.memref_squeeze %dma_start3A_106 : memref<1x128xi32, #tpu.memory_space<vmem>> -> memref<128xi32, #tpu.memory_space<vmem>>
    %dma_start3A_108 = arith.constant 0 : i32
    %dma_start3A_109 = arith.constant 0 : i32
    %dma_start3A_110 = tpu.memref_slice %arg3[%dma_start3A_108, %dma_start3A_109] : memref<2048x16xf32, #tpu.memory_space<hbm>> -> memref<2048x16xf32, #tpu.memory_space<hbm>>
    tpu.enqueue_indirect_dma source(%dma_start3A_110 : memref<2048x16xf32, #tpu.memory_space<hbm>>) target(%dma_start3A_104 : memref<128x16xf32, #tpu.memory_space<vmem>>) offsets(%dma_start3A_107 : memref<128xi32, #tpu.memory_space<vmem>>) semaphore(%arg13 : memref<!tpu.dma_semaphore, #tpu.memory_space<semaphore_mem>>)
    %dma_start3A_111 = arith.constant 4 : i32
    %dma_start3A_112 = arith.constant 512 : i32
    %dma_start3A_113 = arith.constant 0 : i32
    %dma_start3A_114 = tpu.memref_slice %arg9[%dma_start3A_112, %dma_start3A_113] : memref<2048x16xf32, #tpu.memory_space<vmem>> -> memref<128x16xf32, #tpu.memory_space<vmem>>
    %dma_start3A_115 = arith.constant 0 : i32
    %dma_start3A_116 = tpu.memref_slice %arg7[%dma_start3A_111, %dma_start3A_115] : memref<16x128xi32, #tpu.memory_space<vmem>> -> memref<1x128xi32, #tpu.memory_space<vmem>>
    %dma_start3A_117 = tpu.memref_squeeze %dma_start3A_116 : memref<1x128xi32, #tpu.memory_space<vmem>> -> memref<128xi32, #tpu.memory_space<vmem>>
    %dma_start3A_118 = arith.constant 0 : i32
    %dma_start3A_119 = arith.constant 0 : i32
    %dma_start3A_120 = tpu.memref_slice %arg2[%dma_start3A_118, %dma_start3A_119] : memref<32768x16xf32, #tpu.memory_space<hbm>> -> memref<32768x16xf32, #tpu.memory_space<hbm>>
    tpu.enqueue_indirect_dma source(%dma_start3A_120 : memref<32768x16xf32, #tpu.memory_space<hbm>>) target(%dma_start3A_114 : memref<128x16xf32, #tpu.memory_space<vmem>>) offsets(%dma_start3A_117 : memref<128xi32, #tpu.memory_space<vmem>>) semaphore(%arg12 : memref<!tpu.dma_semaphore, #tpu.memory_space<semaphore_mem>>)
    %dma_start3A_121 = arith.constant 4 : i32
    %dma_start3A_122 = arith.constant 512 : i32
    %dma_start3A_123 = arith.constant 0 : i32
    %dma_start3A_124 = tpu.memref_slice %arg10[%dma_start3A_122, %dma_start3A_123] : memref<2048x16xf32, #tpu.memory_space<vmem>> -> memref<128x16xf32, #tpu.memory_space<vmem>>
    %dma_start3A_125 = arith.constant 0 : i32
    %dma_start3A_126 = tpu.memref_slice %arg8[%dma_start3A_121, %dma_start3A_125] : memref<16x128xi32, #tpu.memory_space<vmem>> -> memref<1x128xi32, #tpu.memory_space<vmem>>
    %dma_start3A_127 = tpu.memref_squeeze %dma_start3A_126 : memref<1x128xi32, #tpu.memory_space<vmem>> -> memref<128xi32, #tpu.memory_space<vmem>>
    %dma_start3A_128 = arith.constant 0 : i32
    %dma_start3A_129 = arith.constant 0 : i32
    %dma_start3A_130 = tpu.memref_slice %arg3[%dma_start3A_128, %dma_start3A_129] : memref<2048x16xf32, #tpu.memory_space<hbm>> -> memref<2048x16xf32, #tpu.memory_space<hbm>>
    tpu.enqueue_indirect_dma source(%dma_start3A_130 : memref<2048x16xf32, #tpu.memory_space<hbm>>) target(%dma_start3A_124 : memref<128x16xf32, #tpu.memory_space<vmem>>) offsets(%dma_start3A_127 : memref<128xi32, #tpu.memory_space<vmem>>) semaphore(%arg13 : memref<!tpu.dma_semaphore, #tpu.memory_space<semaphore_mem>>)
    %dma_start3A_131 = arith.constant 5 : i32
    %dma_start3A_132 = arith.constant 640 : i32
    %dma_start3A_133 = arith.constant 0 : i32
    %dma_start3A_134 = tpu.memref_slice %arg9[%dma_start3A_132, %dma_start3A_133] : memref<2048x16xf32, #tpu.memory_space<vmem>> -> memref<128x16xf32, #tpu.memory_space<vmem>>
    %dma_start3A_135 = arith.constant 0 : i32
    %dma_start3A_136 = tpu.memref_slice %arg7[%dma_start3A_131, %dma_start3A_135] : memref<16x128xi32, #tpu.memory_space<vmem>> -> memref<1x128xi32, #tpu.memory_space<vmem>>
    %dma_start3A_137 = tpu.memref_squeeze %dma_start3A_136 : memref<1x128xi32, #tpu.memory_space<vmem>> -> memref<128xi32, #tpu.memory_space<vmem>>
    %dma_start3A_138 = arith.constant 0 : i32
    %dma_start3A_139 = arith.constant 0 : i32
    %dma_start3A_140 = tpu.memref_slice %arg2[%dma_start3A_138, %dma_start3A_139] : memref<32768x16xf32, #tpu.memory_space<hbm>> -> memref<32768x16xf32, #tpu.memory_space<hbm>>
    tpu.enqueue_indirect_dma source(%dma_start3A_140 : memref<32768x16xf32, #tpu.memory_space<hbm>>) target(%dma_start3A_134 : memref<128x16xf32, #tpu.memory_space<vmem>>) offsets(%dma_start3A_137 : memref<128xi32, #tpu.memory_space<vmem>>) semaphore(%arg12 : memref<!tpu.dma_semaphore, #tpu.memory_space<semaphore_mem>>)
    %dma_start3A_141 = arith.constant 5 : i32
    %dma_start3A_142 = arith.constant 640 : i32
    %dma_start3A_143 = arith.constant 0 : i32
    %dma_start3A_144 = tpu.memref_slice %arg10[%dma_start3A_142, %dma_start3A_143] : memref<2048x16xf32, #tpu.memory_space<vmem>> -> memref<128x16xf32, #tpu.memory_space<vmem>>
    %dma_start3A_145 = arith.constant 0 : i32
    %dma_start3A_146 = tpu.memref_slice %arg8[%dma_start3A_141, %dma_start3A_145] : memref<16x128xi32, #tpu.memory_space<vmem>> -> memref<1x128xi32, #tpu.memory_space<vmem>>
    %dma_start3A_147 = tpu.memref_squeeze %dma_start3A_146 : memref<1x128xi32, #tpu.memory_space<vmem>> -> memref<128xi32, #tpu.memory_space<vmem>>
    %dma_start3A_148 = arith.constant 0 : i32
    %dma_start3A_149 = arith.constant 0 : i32
    %dma_start3A_150 = tpu.memref_slice %arg3[%dma_start3A_148, %dma_start3A_149] : memref<2048x16xf32, #tpu.memory_space<hbm>> -> memref<2048x16xf32, #tpu.memory_space<hbm>>
    tpu.enqueue_indirect_dma source(%dma_start3A_150 : memref<2048x16xf32, #tpu.memory_space<hbm>>) target(%dma_start3A_144 : memref<128x16xf32, #tpu.memory_space<vmem>>) offsets(%dma_start3A_147 : memref<128xi32, #tpu.memory_space<vmem>>) semaphore(%arg13 : memref<!tpu.dma_semaphore, #tpu.memory_space<semaphore_mem>>)
    %dma_start3A_151 = arith.constant 6 : i32
    %dma_start3A_152 = arith.constant 768 : i32
    %dma_start3A_153 = arith.constant 0 : i32
    %dma_start3A_154 = tpu.memref_slice %arg9[%dma_start3A_152, %dma_start3A_153] : memref<2048x16xf32, #tpu.memory_space<vmem>> -> memref<128x16xf32, #tpu.memory_space<vmem>>
    %dma_start3A_155 = arith.constant 0 : i32
    %dma_start3A_156 = tpu.memref_slice %arg7[%dma_start3A_151, %dma_start3A_155] : memref<16x128xi32, #tpu.memory_space<vmem>> -> memref<1x128xi32, #tpu.memory_space<vmem>>
    %dma_start3A_157 = tpu.memref_squeeze %dma_start3A_156 : memref<1x128xi32, #tpu.memory_space<vmem>> -> memref<128xi32, #tpu.memory_space<vmem>>
    %dma_start3A_158 = arith.constant 0 : i32
    %dma_start3A_159 = arith.constant 0 : i32
    %dma_start3A_160 = tpu.memref_slice %arg2[%dma_start3A_158, %dma_start3A_159] : memref<32768x16xf32, #tpu.memory_space<hbm>> -> memref<32768x16xf32, #tpu.memory_space<hbm>>
    tpu.enqueue_indirect_dma source(%dma_start3A_160 : memref<32768x16xf32, #tpu.memory_space<hbm>>) target(%dma_start3A_154 : memref<128x16xf32, #tpu.memory_space<vmem>>) offsets(%dma_start3A_157 : memref<128xi32, #tpu.memory_space<vmem>>) semaphore(%arg12 : memref<!tpu.dma_semaphore, #tpu.memory_space<semaphore_mem>>)
    %dma_start3A_161 = arith.constant 6 : i32
    %dma_start3A_162 = arith.constant 768 : i32
    %dma_start3A_163 = arith.constant 0 : i32
    %dma_start3A_164 = tpu.memref_slice %arg10[%dma_start3A_162, %dma_start3A_163] : memref<2048x16xf32, #tpu.memory_space<vmem>> -> memref<128x16xf32, #tpu.memory_space<vmem>>
    %dma_start3A_165 = arith.constant 0 : i32
    %dma_start3A_166 = tpu.memref_slice %arg8[%dma_start3A_161, %dma_start3A_165] : memref<16x128xi32, #tpu.memory_space<vmem>> -> memref<1x128xi32, #tpu.memory_space<vmem>>
    %dma_start3A_167 = tpu.memref_squeeze %dma_start3A_166 : memref<1x128xi32, #tpu.memory_space<vmem>> -> memref<128xi32, #tpu.memory_space<vmem>>
    %dma_start3A_168 = arith.constant 0 : i32
    %dma_start3A_169 = arith.constant 0 : i32
    %dma_start3A_170 = tpu.memref_slice %arg3[%dma_start3A_168, %dma_start3A_169] : memref<2048x16xf32, #tpu.memory_space<hbm>> -> memref<2048x16xf32, #tpu.memory_space<hbm>>
    tpu.enqueue_indirect_dma source(%dma_start3A_170 : memref<2048x16xf32, #tpu.memory_space<hbm>>) target(%dma_start3A_164 : memref<128x16xf32, #tpu.memory_space<vmem>>) offsets(%dma_start3A_167 : memref<128xi32, #tpu.memory_space<vmem>>) semaphore(%arg13 : memref<!tpu.dma_semaphore, #tpu.memory_space<semaphore_mem>>)
    %dma_start3A_171 = arith.constant 7 : i32
    %dma_start3A_172 = arith.constant 896 : i32
    %dma_start3A_173 = arith.constant 0 : i32
    %dma_start3A_174 = tpu.memref_slice %arg9[%dma_start3A_172, %dma_start3A_173] : memref<2048x16xf32, #tpu.memory_space<vmem>> -> memref<128x16xf32, #tpu.memory_space<vmem>>
    %dma_start3A_175 = arith.constant 0 : i32
    %dma_start3A_176 = tpu.memref_slice %arg7[%dma_start3A_171, %dma_start3A_175] : memref<16x128xi32, #tpu.memory_space<vmem>> -> memref<1x128xi32, #tpu.memory_space<vmem>>
    %dma_start3A_177 = tpu.memref_squeeze %dma_start3A_176 : memref<1x128xi32, #tpu.memory_space<vmem>> -> memref<128xi32, #tpu.memory_space<vmem>>
    %dma_start3A_178 = arith.constant 0 : i32
    %dma_start3A_179 = arith.constant 0 : i32
    %dma_start3A_180 = tpu.memref_slice %arg2[%dma_start3A_178, %dma_start3A_179] : memref<32768x16xf32, #tpu.memory_space<hbm>> -> memref<32768x16xf32, #tpu.memory_space<hbm>>
    tpu.enqueue_indirect_dma source(%dma_start3A_180 : memref<32768x16xf32, #tpu.memory_space<hbm>>) target(%dma_start3A_174 : memref<128x16xf32, #tpu.memory_space<vmem>>) offsets(%dma_start3A_177 : memref<128xi32, #tpu.memory_space<vmem>>) semaphore(%arg12 : memref<!tpu.dma_semaphore, #tpu.memory_space<semaphore_mem>>)
    %dma_start3A_181 = arith.constant 7 : i32
    %dma_start3A_182 = arith.constant 896 : i32
    %dma_start3A_183 = arith.constant 0 : i32
    %dma_start3A_184 = tpu.memref_slice %arg10[%dma_start3A_182, %dma_start3A_183] : memref<2048x16xf32, #tpu.memory_space<vmem>> -> memref<128x16xf32, #tpu.memory_space<vmem>>
    %dma_start3A_185 = arith.constant 0 : i32
    %dma_start3A_186 = tpu.memref_slice %arg8[%dma_start3A_181, %dma_start3A_185] : memref<16x128xi32, #tpu.memory_space<vmem>> -> memref<1x128xi32, #tpu.memory_space<vmem>>
    %dma_start3A_187 = tpu.memref_squeeze %dma_start3A_186 : memref<1x128xi32, #tpu.memory_space<vmem>> -> memref<128xi32, #tpu.memory_space<vmem>>
    %dma_start3A_188 = arith.constant 0 : i32
    %dma_start3A_189 = arith.constant 0 : i32
    %dma_start3A_190 = tpu.memref_slice %arg3[%dma_start3A_188, %dma_start3A_189] : memref<2048x16xf32, #tpu.memory_space<hbm>> -> memref<2048x16xf32, #tpu.memory_space<hbm>>
    tpu.enqueue_indirect_dma source(%dma_start3A_190 : memref<2048x16xf32, #tpu.memory_space<hbm>>) target(%dma_start3A_184 : memref<128x16xf32, #tpu.memory_space<vmem>>) offsets(%dma_start3A_187 : memref<128xi32, #tpu.memory_space<vmem>>) semaphore(%arg13 : memref<!tpu.dma_semaphore, #tpu.memory_space<semaphore_mem>>)
    %dma_start3A_191 = arith.constant 8 : i32
    %dma_start3A_192 = arith.constant 1024 : i32
    %dma_start3A_193 = arith.constant 0 : i32
    %dma_start3A_194 = tpu.memref_slice %arg9[%dma_start3A_192, %dma_start3A_193] : memref<2048x16xf32, #tpu.memory_space<vmem>> -> memref<128x16xf32, #tpu.memory_space<vmem>>
    %dma_start3A_195 = arith.constant 0 : i32
    %dma_start3A_196 = tpu.memref_slice %arg7[%dma_start3A_191, %dma_start3A_195] : memref<16x128xi32, #tpu.memory_space<vmem>> -> memref<1x128xi32, #tpu.memory_space<vmem>>
    %dma_start3A_197 = tpu.memref_squeeze %dma_start3A_196 : memref<1x128xi32, #tpu.memory_space<vmem>> -> memref<128xi32, #tpu.memory_space<vmem>>
    %dma_start3A_198 = arith.constant 0 : i32
    %dma_start3A_199 = arith.constant 0 : i32
    %dma_start3A_200 = tpu.memref_slice %arg2[%dma_start3A_198, %dma_start3A_199] : memref<32768x16xf32, #tpu.memory_space<hbm>> -> memref<32768x16xf32, #tpu.memory_space<hbm>>
    tpu.enqueue_indirect_dma source(%dma_start3A_200 : memref<32768x16xf32, #tpu.memory_space<hbm>>) target(%dma_start3A_194 : memref<128x16xf32, #tpu.memory_space<vmem>>) offsets(%dma_start3A_197 : memref<128xi32, #tpu.memory_space<vmem>>) semaphore(%arg12 : memref<!tpu.dma_semaphore, #tpu.memory_space<semaphore_mem>>)
    %dma_start3A_201 = arith.constant 8 : i32
    %dma_start3A_202 = arith.constant 1024 : i32
    %dma_start3A_203 = arith.constant 0 : i32
    %dma_start3A_204 = tpu.memref_slice %arg10[%dma_start3A_202, %dma_start3A_203] : memref<2048x16xf32, #tpu.memory_space<vmem>> -> memref<128x16xf32, #tpu.memory_space<vmem>>
    %dma_start3A_205 = arith.constant 0 : i32
    %dma_start3A_206 = tpu.memref_slice %arg8[%dma_start3A_201, %dma_start3A_205] : memref<16x128xi32, #tpu.memory_space<vmem>> -> memref<1x128xi32, #tpu.memory_space<vmem>>
    %dma_start3A_207 = tpu.memref_squeeze %dma_start3A_206 : memref<1x128xi32, #tpu.memory_space<vmem>> -> memref<128xi32, #tpu.memory_space<vmem>>
    %dma_start3A_208 = arith.constant 0 : i32
    %dma_start3A_209 = arith.constant 0 : i32
    %dma_start3A_210 = tpu.memref_slice %arg3[%dma_start3A_208, %dma_start3A_209] : memref<2048x16xf32, #tpu.memory_space<hbm>> -> memref<2048x16xf32, #tpu.memory_space<hbm>>
    tpu.enqueue_indirect_dma source(%dma_start3A_210 : memref<2048x16xf32, #tpu.memory_space<hbm>>) target(%dma_start3A_204 : memref<128x16xf32, #tpu.memory_space<vmem>>) offsets(%dma_start3A_207 : memref<128xi32, #tpu.memory_space<vmem>>) semaphore(%arg13 : memref<!tpu.dma_semaphore, #tpu.memory_space<semaphore_mem>>)
    %dma_start3A_211 = arith.constant 9 : i32
    %dma_start3A_212 = arith.constant 1152 : i32
    %dma_start3A_213 = arith.constant 0 : i32
    %dma_start3A_214 = tpu.memref_slice %arg9[%dma_start3A_212, %dma_start3A_213] : memref<2048x16xf32, #tpu.memory_space<vmem>> -> memref<128x16xf32, #tpu.memory_space<vmem>>
    %dma_start3A_215 = arith.constant 0 : i32
    %dma_start3A_216 = tpu.memref_slice %arg7[%dma_start3A_211, %dma_start3A_215] : memref<16x128xi32, #tpu.memory_space<vmem>> -> memref<1x128xi32, #tpu.memory_space<vmem>>
    %dma_start3A_217 = tpu.memref_squeeze %dma_start3A_216 : memref<1x128xi32, #tpu.memory_space<vmem>> -> memref<128xi32, #tpu.memory_space<vmem>>
    %dma_start3A_218 = arith.constant 0 : i32
    %dma_start3A_219 = arith.constant 0 : i32
    %dma_start3A_220 = tpu.memref_slice %arg2[%dma_start3A_218, %dma_start3A_219] : memref<32768x16xf32, #tpu.memory_space<hbm>> -> memref<32768x16xf32, #tpu.memory_space<hbm>>
    tpu.enqueue_indirect_dma source(%dma_start3A_220 : memref<32768x16xf32, #tpu.memory_space<hbm>>) target(%dma_start3A_214 : memref<128x16xf32, #tpu.memory_space<vmem>>) offsets(%dma_start3A_217 : memref<128xi32, #tpu.memory_space<vmem>>) semaphore(%arg12 : memref<!tpu.dma_semaphore, #tpu.memory_space<semaphore_mem>>)
    %dma_start3A_221 = arith.constant 9 : i32
    %dma_start3A_222 = arith.constant 1152 : i32
    %dma_start3A_223 = arith.constant 0 : i32
    %dma_start3A_224 = tpu.memref_slice %arg10[%dma_start3A_222, %dma_start3A_223] : memref<2048x16xf32, #tpu.memory_space<vmem>> -> memref<128x16xf32, #tpu.memory_space<vmem>>
    %dma_start3A_225 = arith.constant 0 : i32
    %dma_start3A_226 = tpu.memref_slice %arg8[%dma_start3A_221, %dma_start3A_225] : memref<16x128xi32, #tpu.memory_space<vmem>> -> memref<1x128xi32, #tpu.memory_space<vmem>>
    %dma_start3A_227 = tpu.memref_squeeze %dma_start3A_226 : memref<1x128xi32, #tpu.memory_space<vmem>> -> memref<128xi32, #tpu.memory_space<vmem>>
    %dma_start3A_228 = arith.constant 0 : i32
    %dma_start3A_229 = arith.constant 0 : i32
    %dma_start3A_230 = tpu.memref_slice %arg3[%dma_start3A_228, %dma_start3A_229] : memref<2048x16xf32, #tpu.memory_space<hbm>> -> memref<2048x16xf32, #tpu.memory_space<hbm>>
    tpu.enqueue_indirect_dma source(%dma_start3A_230 : memref<2048x16xf32, #tpu.memory_space<hbm>>) target(%dma_start3A_224 : memref<128x16xf32, #tpu.memory_space<vmem>>) offsets(%dma_start3A_227 : memref<128xi32, #tpu.memory_space<vmem>>) semaphore(%arg13 : memref<!tpu.dma_semaphore, #tpu.memory_space<semaphore_mem>>)
    %dma_start3A_231 = arith.constant 10 : i32
    %dma_start3A_232 = arith.constant 1280 : i32
    %dma_start3A_233 = arith.constant 0 : i32
    %dma_start3A_234 = tpu.memref_slice %arg9[%dma_start3A_232, %dma_start3A_233] : memref<2048x16xf32, #tpu.memory_space<vmem>> -> memref<128x16xf32, #tpu.memory_space<vmem>>
    %dma_start3A_235 = arith.constant 0 : i32
    %dma_start3A_236 = tpu.memref_slice %arg7[%dma_start3A_231, %dma_start3A_235] : memref<16x128xi32, #tpu.memory_space<vmem>> -> memref<1x128xi32, #tpu.memory_space<vmem>>
    %dma_start3A_237 = tpu.memref_squeeze %dma_start3A_236 : memref<1x128xi32, #tpu.memory_space<vmem>> -> memref<128xi32, #tpu.memory_space<vmem>>
    %dma_start3A_238 = arith.constant 0 : i32
    %dma_start3A_239 = arith.constant 0 : i32
    %dma_start3A_240 = tpu.memref_slice %arg2[%dma_start3A_238, %dma_start3A_239] : memref<32768x16xf32, #tpu.memory_space<hbm>> -> memref<32768x16xf32, #tpu.memory_space<hbm>>
    tpu.enqueue_indirect_dma source(%dma_start3A_240 : memref<32768x16xf32, #tpu.memory_space<hbm>>) target(%dma_start3A_234 : memref<128x16xf32, #tpu.memory_space<vmem>>) offsets(%dma_start3A_237 : memref<128xi32, #tpu.memory_space<vmem>>) semaphore(%arg12 : memref<!tpu.dma_semaphore, #tpu.memory_space<semaphore_mem>>)
    %dma_start3A_241 = arith.constant 10 : i32
    %dma_start3A_242 = arith.constant 1280 : i32
    %dma_start3A_243 = arith.constant 0 : i32
    %dma_start3A_244 = tpu.memref_slice %arg10[%dma_start3A_242, %dma_start3A_243] : memref<2048x16xf32, #tpu.memory_space<vmem>> -> memref<128x16xf32, #tpu.memory_space<vmem>>
    %dma_start3A_245 = arith.constant 0 : i32
    %dma_start3A_246 = tpu.memref_slice %arg8[%dma_start3A_241, %dma_start3A_245] : memref<16x128xi32, #tpu.memory_space<vmem>> -> memref<1x128xi32, #tpu.memory_space<vmem>>
    %dma_start3A_247 = tpu.memref_squeeze %dma_start3A_246 : memref<1x128xi32, #tpu.memory_space<vmem>> -> memref<128xi32, #tpu.memory_space<vmem>>
    %dma_start3A_248 = arith.constant 0 : i32
    %dma_start3A_249 = arith.constant 0 : i32
    %dma_start3A_250 = tpu.memref_slice %arg3[%dma_start3A_248, %dma_start3A_249] : memref<2048x16xf32, #tpu.memory_space<hbm>> -> memref<2048x16xf32, #tpu.memory_space<hbm>>
    tpu.enqueue_indirect_dma source(%dma_start3A_250 : memref<2048x16xf32, #tpu.memory_space<hbm>>) target(%dma_start3A_244 : memref<128x16xf32, #tpu.memory_space<vmem>>) offsets(%dma_start3A_247 : memref<128xi32, #tpu.memory_space<vmem>>) semaphore(%arg13 : memref<!tpu.dma_semaphore, #tpu.memory_space<semaphore_mem>>)
    %dma_start3A_251 = arith.constant 11 : i32
    %dma_start3A_252 = arith.constant 1408 : i32
    %dma_start3A_253 = arith.constant 0 : i32
    %dma_start3A_254 = tpu.memref_slice %arg9[%dma_start3A_252, %dma_start3A_253] : memref<2048x16xf32, #tpu.memory_space<vmem>> -> memref<128x16xf32, #tpu.memory_space<vmem>>
    %dma_start3A_255 = arith.constant 0 : i32
    %dma_start3A_256 = tpu.memref_slice %arg7[%dma_start3A_251, %dma_start3A_255] : memref<16x128xi32, #tpu.memory_space<vmem>> -> memref<1x128xi32, #tpu.memory_space<vmem>>
    %dma_start3A_257 = tpu.memref_squeeze %dma_start3A_256 : memref<1x128xi32, #tpu.memory_space<vmem>> -> memref<128xi32, #tpu.memory_space<vmem>>
    %dma_start3A_258 = arith.constant 0 : i32
    %dma_start3A_259 = arith.constant 0 : i32
    %dma_start3A_260 = tpu.memref_slice %arg2[%dma_start3A_258, %dma_start3A_259] : memref<32768x16xf32, #tpu.memory_space<hbm>> -> memref<32768x16xf32, #tpu.memory_space<hbm>>
    tpu.enqueue_indirect_dma source(%dma_start3A_260 : memref<32768x16xf32, #tpu.memory_space<hbm>>) target(%dma_start3A_254 : memref<128x16xf32, #tpu.memory_space<vmem>>) offsets(%dma_start3A_257 : memref<128xi32, #tpu.memory_space<vmem>>) semaphore(%arg12 : memref<!tpu.dma_semaphore, #tpu.memory_space<semaphore_mem>>)
    %dma_start3A_261 = arith.constant 11 : i32
    %dma_start3A_262 = arith.constant 1408 : i32
    %dma_start3A_263 = arith.constant 0 : i32
    %dma_start3A_264 = tpu.memref_slice %arg10[%dma_start3A_262, %dma_start3A_263] : memref<2048x16xf32, #tpu.memory_space<vmem>> -> memref<128x16xf32, #tpu.memory_space<vmem>>
    %dma_start3A_265 = arith.constant 0 : i32
    %dma_start3A_266 = tpu.memref_slice %arg8[%dma_start3A_261, %dma_start3A_265] : memref<16x128xi32, #tpu.memory_space<vmem>> -> memref<1x128xi32, #tpu.memory_space<vmem>>
    %dma_start3A_267 = tpu.memref_squeeze %dma_start3A_266 : memref<1x128xi32, #tpu.memory_space<vmem>> -> memref<128xi32, #tpu.memory_space<vmem>>
    %dma_start3A_268 = arith.constant 0 : i32
    %dma_start3A_269 = arith.constant 0 : i32
    %dma_start3A_270 = tpu.memref_slice %arg3[%dma_start3A_268, %dma_start3A_269] : memref<2048x16xf32, #tpu.memory_space<hbm>> -> memref<2048x16xf32, #tpu.memory_space<hbm>>
    tpu.enqueue_indirect_dma source(%dma_start3A_270 : memref<2048x16xf32, #tpu.memory_space<hbm>>) target(%dma_start3A_264 : memref<128x16xf32, #tpu.memory_space<vmem>>) offsets(%dma_start3A_267 : memref<128xi32, #tpu.memory_space<vmem>>) semaphore(%arg13 : memref<!tpu.dma_semaphore, #tpu.memory_space<semaphore_mem>>)
    %dma_start3A_271 = arith.constant 12 : i32
    %dma_start3A_272 = arith.constant 1536 : i32
    %dma_start3A_273 = arith.constant 0 : i32
    %dma_start3A_274 = tpu.memref_slice %arg9[%dma_start3A_272, %dma_start3A_273] : memref<2048x16xf32, #tpu.memory_space<vmem>> -> memref<128x16xf32, #tpu.memory_space<vmem>>
    %dma_start3A_275 = arith.constant 0 : i32
    %dma_start3A_276 = tpu.memref_slice %arg7[%dma_start3A_271, %dma_start3A_275] : memref<16x128xi32, #tpu.memory_space<vmem>> -> memref<1x128xi32, #tpu.memory_space<vmem>>
    %dma_start3A_277 = tpu.memref_squeeze %dma_start3A_276 : memref<1x128xi32, #tpu.memory_space<vmem>> -> memref<128xi32, #tpu.memory_space<vmem>>
    %dma_start3A_278 = arith.constant 0 : i32
    %dma_start3A_279 = arith.constant 0 : i32
    %dma_start3A_280 = tpu.memref_slice %arg2[%dma_start3A_278, %dma_start3A_279] : memref<32768x16xf32, #tpu.memory_space<hbm>> -> memref<32768x16xf32, #tpu.memory_space<hbm>>
    tpu.enqueue_indirect_dma source(%dma_start3A_280 : memref<32768x16xf32, #tpu.memory_space<hbm>>) target(%dma_start3A_274 : memref<128x16xf32, #tpu.memory_space<vmem>>) offsets(%dma_start3A_277 : memref<128xi32, #tpu.memory_space<vmem>>) semaphore(%arg12 : memref<!tpu.dma_semaphore, #tpu.memory_space<semaphore_mem>>)
    %dma_start3A_281 = arith.constant 12 : i32
    %dma_start3A_282 = arith.constant 1536 : i32
    %dma_start3A_283 = arith.constant 0 : i32
    %dma_start3A_284 = tpu.memref_slice %arg10[%dma_start3A_282, %dma_start3A_283] : memref<2048x16xf32, #tpu.memory_space<vmem>> -> memref<128x16xf32, #tpu.memory_space<vmem>>
    %dma_start3A_285 = arith.constant 0 : i32
    %dma_start3A_286 = tpu.memref_slice %arg8[%dma_start3A_281, %dma_start3A_285] : memref<16x128xi32, #tpu.memory_space<vmem>> -> memref<1x128xi32, #tpu.memory_space<vmem>>
    %dma_start3A_287 = tpu.memref_squeeze %dma_start3A_286 : memref<1x128xi32, #tpu.memory_space<vmem>> -> memref<128xi32, #tpu.memory_space<vmem>>
    %dma_start3A_288 = arith.constant 0 : i32
    %dma_start3A_289 = arith.constant 0 : i32
    %dma_start3A_290 = tpu.memref_slice %arg3[%dma_start3A_288, %dma_start3A_289] : memref<2048x16xf32, #tpu.memory_space<hbm>> -> memref<2048x16xf32, #tpu.memory_space<hbm>>
    tpu.enqueue_indirect_dma source(%dma_start3A_290 : memref<2048x16xf32, #tpu.memory_space<hbm>>) target(%dma_start3A_284 : memref<128x16xf32, #tpu.memory_space<vmem>>) offsets(%dma_start3A_287 : memref<128xi32, #tpu.memory_space<vmem>>) semaphore(%arg13 : memref<!tpu.dma_semaphore, #tpu.memory_space<semaphore_mem>>)
    %dma_start3A_291 = arith.constant 13 : i32
    %dma_start3A_292 = arith.constant 1664 : i32
    %dma_start3A_293 = arith.constant 0 : i32
    %dma_start3A_294 = tpu.memref_slice %arg9[%dma_start3A_292, %dma_start3A_293] : memref<2048x16xf32, #tpu.memory_space<vmem>> -> memref<128x16xf32, #tpu.memory_space<vmem>>
    %dma_start3A_295 = arith.constant 0 : i32
    %dma_start3A_296 = tpu.memref_slice %arg7[%dma_start3A_291, %dma_start3A_295] : memref<16x128xi32, #tpu.memory_space<vmem>> -> memref<1x128xi32, #tpu.memory_space<vmem>>
    %dma_start3A_297 = tpu.memref_squeeze %dma_start3A_296 : memref<1x128xi32, #tpu.memory_space<vmem>> -> memref<128xi32, #tpu.memory_space<vmem>>
    %dma_start3A_298 = arith.constant 0 : i32
    %dma_start3A_299 = arith.constant 0 : i32
    %dma_start3A_300 = tpu.memref_slice %arg2[%dma_start3A_298, %dma_start3A_299] : memref<32768x16xf32, #tpu.memory_space<hbm>> -> memref<32768x16xf32, #tpu.memory_space<hbm>>
    tpu.enqueue_indirect_dma source(%dma_start3A_300 : memref<32768x16xf32, #tpu.memory_space<hbm>>) target(%dma_start3A_294 : memref<128x16xf32, #tpu.memory_space<vmem>>) offsets(%dma_start3A_297 : memref<128xi32, #tpu.memory_space<vmem>>) semaphore(%arg12 : memref<!tpu.dma_semaphore, #tpu.memory_space<semaphore_mem>>)
    %dma_start3A_301 = arith.constant 13 : i32
    %dma_start3A_302 = arith.constant 1664 : i32
    %dma_start3A_303 = arith.constant 0 : i32
    %dma_start3A_304 = tpu.memref_slice %arg10[%dma_start3A_302, %dma_start3A_303] : memref<2048x16xf32, #tpu.memory_space<vmem>> -> memref<128x16xf32, #tpu.memory_space<vmem>>
    %dma_start3A_305 = arith.constant 0 : i32
    %dma_start3A_306 = tpu.memref_slice %arg8[%dma_start3A_301, %dma_start3A_305] : memref<16x128xi32, #tpu.memory_space<vmem>> -> memref<1x128xi32, #tpu.memory_space<vmem>>
    %dma_start3A_307 = tpu.memref_squeeze %dma_start3A_306 : memref<1x128xi32, #tpu.memory_space<vmem>> -> memref<128xi32, #tpu.memory_space<vmem>>
    %dma_start3A_308 = arith.constant 0 : i32
    %dma_start3A_309 = arith.constant 0 : i32
    %dma_start3A_310 = tpu.memref_slice %arg3[%dma_start3A_308, %dma_start3A_309] : memref<2048x16xf32, #tpu.memory_space<hbm>> -> memref<2048x16xf32, #tpu.memory_space<hbm>>
    tpu.enqueue_indirect_dma source(%dma_start3A_310 : memref<2048x16xf32, #tpu.memory_space<hbm>>) target(%dma_start3A_304 : memref<128x16xf32, #tpu.memory_space<vmem>>) offsets(%dma_start3A_307 : memref<128xi32, #tpu.memory_space<vmem>>) semaphore(%arg13 : memref<!tpu.dma_semaphore, #tpu.memory_space<semaphore_mem>>)
    %dma_start3A_311 = arith.constant 14 : i32
    %dma_start3A_312 = arith.constant 1792 : i32
    %dma_start3A_313 = arith.constant 0 : i32
    %dma_start3A_314 = tpu.memref_slice %arg9[%dma_start3A_312, %dma_start3A_313] : memref<2048x16xf32, #tpu.memory_space<vmem>> -> memref<128x16xf32, #tpu.memory_space<vmem>>
    %dma_start3A_315 = arith.constant 0 : i32
    %dma_start3A_316 = tpu.memref_slice %arg7[%dma_start3A_311, %dma_start3A_315] : memref<16x128xi32, #tpu.memory_space<vmem>> -> memref<1x128xi32, #tpu.memory_space<vmem>>
    %dma_start3A_317 = tpu.memref_squeeze %dma_start3A_316 : memref<1x128xi32, #tpu.memory_space<vmem>> -> memref<128xi32, #tpu.memory_space<vmem>>
    %dma_start3A_318 = arith.constant 0 : i32
    %dma_start3A_319 = arith.constant 0 : i32
    %dma_start3A_320 = tpu.memref_slice %arg2[%dma_start3A_318, %dma_start3A_319] : memref<32768x16xf32, #tpu.memory_space<hbm>> -> memref<32768x16xf32, #tpu.memory_space<hbm>>
    tpu.enqueue_indirect_dma source(%dma_start3A_320 : memref<32768x16xf32, #tpu.memory_space<hbm>>) target(%dma_start3A_314 : memref<128x16xf32, #tpu.memory_space<vmem>>) offsets(%dma_start3A_317 : memref<128xi32, #tpu.memory_space<vmem>>) semaphore(%arg12 : memref<!tpu.dma_semaphore, #tpu.memory_space<semaphore_mem>>)
    %dma_start3A_321 = arith.constant 14 : i32
    %dma_start3A_322 = arith.constant 1792 : i32
    %dma_start3A_323 = arith.constant 0 : i32
    %dma_start3A_324 = tpu.memref_slice %arg10[%dma_start3A_322, %dma_start3A_323] : memref<2048x16xf32, #tpu.memory_space<vmem>> -> memref<128x16xf32, #tpu.memory_space<vmem>>
    %dma_start3A_325 = arith.constant 0 : i32
    %dma_start3A_326 = tpu.memref_slice %arg8[%dma_start3A_321, %dma_start3A_325] : memref<16x128xi32, #tpu.memory_space<vmem>> -> memref<1x128xi32, #tpu.memory_space<vmem>>
    %dma_start3A_327 = tpu.memref_squeeze %dma_start3A_326 : memref<1x128xi32, #tpu.memory_space<vmem>> -> memref<128xi32, #tpu.memory_space<vmem>>
    %dma_start3A_328 = arith.constant 0 : i32
    %dma_start3A_329 = arith.constant 0 : i32
    %dma_start3A_330 = tpu.memref_slice %arg3[%dma_start3A_328, %dma_start3A_329] : memref<2048x16xf32, #tpu.memory_space<hbm>> -> memref<2048x16xf32, #tpu.memory_space<hbm>>
    tpu.enqueue_indirect_dma source(%dma_start3A_330 : memref<2048x16xf32, #tpu.memory_space<hbm>>) target(%dma_start3A_324 : memref<128x16xf32, #tpu.memory_space<vmem>>) offsets(%dma_start3A_327 : memref<128xi32, #tpu.memory_space<vmem>>) semaphore(%arg13 : memref<!tpu.dma_semaphore, #tpu.memory_space<semaphore_mem>>)
    %dma_start3A_331 = arith.constant 15 : i32
    %dma_start3A_332 = arith.constant 1920 : i32
    %dma_start3A_333 = arith.constant 0 : i32
    %dma_start3A_334 = tpu.memref_slice %arg9[%dma_start3A_332, %dma_start3A_333] : memref<2048x16xf32, #tpu.memory_space<vmem>> -> memref<128x16xf32, #tpu.memory_space<vmem>>
    %dma_start3A_335 = arith.constant 0 : i32
    %dma_start3A_336 = tpu.memref_slice %arg7[%dma_start3A_331, %dma_start3A_335] : memref<16x128xi32, #tpu.memory_space<vmem>> -> memref<1x128xi32, #tpu.memory_space<vmem>>
    %dma_start3A_337 = tpu.memref_squeeze %dma_start3A_336 : memref<1x128xi32, #tpu.memory_space<vmem>> -> memref<128xi32, #tpu.memory_space<vmem>>
    %dma_start3A_338 = arith.constant 0 : i32
    %dma_start3A_339 = arith.constant 0 : i32
    %dma_start3A_340 = tpu.memref_slice %arg2[%dma_start3A_338, %dma_start3A_339] : memref<32768x16xf32, #tpu.memory_space<hbm>> -> memref<32768x16xf32, #tpu.memory_space<hbm>>
    tpu.enqueue_indirect_dma source(%dma_start3A_340 : memref<32768x16xf32, #tpu.memory_space<hbm>>) target(%dma_start3A_334 : memref<128x16xf32, #tpu.memory_space<vmem>>) offsets(%dma_start3A_337 : memref<128xi32, #tpu.memory_space<vmem>>) semaphore(%arg12 : memref<!tpu.dma_semaphore, #tpu.memory_space<semaphore_mem>>)
    %dma_start3A_341 = arith.constant 15 : i32
    %dma_start3A_342 = arith.constant 1920 : i32
    %dma_start3A_343 = arith.constant 0 : i32
    %dma_start3A_344 = tpu.memref_slice %arg10[%dma_start3A_342, %dma_start3A_343] : memref<2048x16xf32, #tpu.memory_space<vmem>> -> memref<128x16xf32, #tpu.memory_space<vmem>>
    %dma_start3A_345 = arith.constant 0 : i32
    %dma_start3A_346 = tpu.memref_slice %arg8[%dma_start3A_341, %dma_start3A_345] : memref<16x128xi32, #tpu.memory_space<vmem>> -> memref<1x128xi32, #tpu.memory_space<vmem>>
    %dma_start3A_347 = tpu.memref_squeeze %dma_start3A_346 : memref<1x128xi32, #tpu.memory_space<vmem>> -> memref<128xi32, #tpu.memory_space<vmem>>
    %dma_start3A_348 = arith.constant 0 : i32
    %dma_start3A_349 = arith.constant 0 : i32
    %dma_start3A_350 = tpu.memref_slice %arg3[%dma_start3A_348, %dma_start3A_349] : memref<2048x16xf32, #tpu.memory_space<hbm>> -> memref<2048x16xf32, #tpu.memory_space<hbm>>
    tpu.enqueue_indirect_dma source(%dma_start3A_350 : memref<2048x16xf32, #tpu.memory_space<hbm>>) target(%dma_start3A_344 : memref<128x16xf32, #tpu.memory_space<vmem>>) offsets(%dma_start3A_347 : memref<128xi32, #tpu.memory_space<vmem>>) semaphore(%arg13 : memref<!tpu.dma_semaphore, #tpu.memory_space<semaphore_mem>>)
    %dma_wait3A_351 = arith.constant 0 : i32
    %dma_wait3A_352 = arith.constant 0 : i32
    %dma_wait3A_353 = arith.constant 0 : i32
    %dma_wait3A_354 = tpu.memref_slice %arg9[%dma_wait3A_352, %dma_wait3A_353] : memref<2048x16xf32, #tpu.memory_space<vmem>> -> memref<128x16xf32, #tpu.memory_space<vmem>>
    %dma_wait3A_355 = arith.constant 0 : i32
    %dma_wait3A_356 = tpu.memref_slice %arg7[%dma_wait3A_351, %dma_wait3A_355] : memref<16x128xi32, #tpu.memory_space<vmem>> -> memref<1x128xi32, #tpu.memory_space<vmem>>
    %dma_wait3A_357 = tpu.memref_squeeze %dma_wait3A_356 : memref<1x128xi32, #tpu.memory_space<vmem>> -> memref<128xi32, #tpu.memory_space<vmem>>
    %dma_wait3A_358 = arith.constant 0 : i32
    %dma_wait3A_359 = arith.constant 0 : i32
    %dma_wait3A_360 = tpu.memref_slice %arg2[%dma_wait3A_358, %dma_wait3A_359] : memref<32768x16xf32, #tpu.memory_space<hbm>> -> memref<32768x16xf32, #tpu.memory_space<hbm>>
    tpu.wait_indirect_dma semaphore(%arg12 : memref<!tpu.dma_semaphore, #tpu.memory_space<semaphore_mem>>) src(%dma_wait3A_360 : memref<32768x16xf32, #tpu.memory_space<hbm>>) dst(%dma_wait3A_354 : memref<128x16xf32, #tpu.memory_space<vmem>>)
    %dma_wait3A_361 = arith.constant 0 : i32
    %dma_wait3A_362 = arith.constant 0 : i32
    %dma_wait3A_363 = arith.constant 0 : i32
    %dma_wait3A_364 = tpu.memref_slice %arg10[%dma_wait3A_362, %dma_wait3A_363] : memref<2048x16xf32, #tpu.memory_space<vmem>> -> memref<128x16xf32, #tpu.memory_space<vmem>>
    %dma_wait3A_365 = arith.constant 0 : i32
    %dma_wait3A_366 = tpu.memref_slice %arg8[%dma_wait3A_361, %dma_wait3A_365] : memref<16x128xi32, #tpu.memory_space<vmem>> -> memref<1x128xi32, #tpu.memory_space<vmem>>
    %dma_wait3A_367 = tpu.memref_squeeze %dma_wait3A_366 : memref<1x128xi32, #tpu.memory_space<vmem>> -> memref<128xi32, #tpu.memory_space<vmem>>
    %dma_wait3A_368 = arith.constant 0 : i32
    %dma_wait3A_369 = arith.constant 0 : i32
    %dma_wait3A_370 = tpu.memref_slice %arg3[%dma_wait3A_368, %dma_wait3A_369] : memref<2048x16xf32, #tpu.memory_space<hbm>> -> memref<2048x16xf32, #tpu.memory_space<hbm>>
    tpu.wait_indirect_dma semaphore(%arg13 : memref<!tpu.dma_semaphore, #tpu.memory_space<semaphore_mem>>) src(%dma_wait3A_370 : memref<2048x16xf32, #tpu.memory_space<hbm>>) dst(%dma_wait3A_364 : memref<128x16xf32, #tpu.memory_space<vmem>>)
    %dma_wait3A_371 = arith.constant 1 : i32
    %dma_wait3A_372 = arith.constant 128 : i32
    %dma_wait3A_373 = arith.constant 0 : i32
    %dma_wait3A_374 = tpu.memref_slice %arg9[%dma_wait3A_372, %dma_wait3A_373] : memref<2048x16xf32, #tpu.memory_space<vmem>> -> memref<128x16xf32, #tpu.memory_space<vmem>>
    %dma_wait3A_375 = arith.constant 0 : i32
    %dma_wait3A_376 = tpu.memref_slice %arg7[%dma_wait3A_371, %dma_wait3A_375] : memref<16x128xi32, #tpu.memory_space<vmem>> -> memref<1x128xi32, #tpu.memory_space<vmem>>
    %dma_wait3A_377 = tpu.memref_squeeze %dma_wait3A_376 : memref<1x128xi32, #tpu.memory_space<vmem>> -> memref<128xi32, #tpu.memory_space<vmem>>
    %dma_wait3A_378 = arith.constant 0 : i32
    %dma_wait3A_379 = arith.constant 0 : i32
    %dma_wait3A_380 = tpu.memref_slice %arg2[%dma_wait3A_378, %dma_wait3A_379] : memref<32768x16xf32, #tpu.memory_space<hbm>> -> memref<32768x16xf32, #tpu.memory_space<hbm>>
    tpu.wait_indirect_dma semaphore(%arg12 : memref<!tpu.dma_semaphore, #tpu.memory_space<semaphore_mem>>) src(%dma_wait3A_380 : memref<32768x16xf32, #tpu.memory_space<hbm>>) dst(%dma_wait3A_374 : memref<128x16xf32, #tpu.memory_space<vmem>>)
    %dma_wait3A_381 = arith.constant 1 : i32
    %dma_wait3A_382 = arith.constant 128 : i32
    %dma_wait3A_383 = arith.constant 0 : i32
    %dma_wait3A_384 = tpu.memref_slice %arg10[%dma_wait3A_382, %dma_wait3A_383] : memref<2048x16xf32, #tpu.memory_space<vmem>> -> memref<128x16xf32, #tpu.memory_space<vmem>>
    %dma_wait3A_385 = arith.constant 0 : i32
    %dma_wait3A_386 = tpu.memref_slice %arg8[%dma_wait3A_381, %dma_wait3A_385] : memref<16x128xi32, #tpu.memory_space<vmem>> -> memref<1x128xi32, #tpu.memory_space<vmem>>
    %dma_wait3A_387 = tpu.memref_squeeze %dma_wait3A_386 : memref<1x128xi32, #tpu.memory_space<vmem>> -> memref<128xi32, #tpu.memory_space<vmem>>
    %dma_wait3A_388 = arith.constant 0 : i32
    %dma_wait3A_389 = arith.constant 0 : i32
    %dma_wait3A_390 = tpu.memref_slice %arg3[%dma_wait3A_388, %dma_wait3A_389] : memref<2048x16xf32, #tpu.memory_space<hbm>> -> memref<2048x16xf32, #tpu.memory_space<hbm>>
    tpu.wait_indirect_dma semaphore(%arg13 : memref<!tpu.dma_semaphore, #tpu.memory_space<semaphore_mem>>) src(%dma_wait3A_390 : memref<2048x16xf32, #tpu.memory_space<hbm>>) dst(%dma_wait3A_384 : memref<128x16xf32, #tpu.memory_space<vmem>>)
    %dma_wait3A_391 = arith.constant 2 : i32
    %dma_wait3A_392 = arith.constant 256 : i32
    %dma_wait3A_393 = arith.constant 0 : i32
    %dma_wait3A_394 = tpu.memref_slice %arg9[%dma_wait3A_392, %dma_wait3A_393] : memref<2048x16xf32, #tpu.memory_space<vmem>> -> memref<128x16xf32, #tpu.memory_space<vmem>>
    %dma_wait3A_395 = arith.constant 0 : i32
    %dma_wait3A_396 = tpu.memref_slice %arg7[%dma_wait3A_391, %dma_wait3A_395] : memref<16x128xi32, #tpu.memory_space<vmem>> -> memref<1x128xi32, #tpu.memory_space<vmem>>
    %dma_wait3A_397 = tpu.memref_squeeze %dma_wait3A_396 : memref<1x128xi32, #tpu.memory_space<vmem>> -> memref<128xi32, #tpu.memory_space<vmem>>
    %dma_wait3A_398 = arith.constant 0 : i32
    %dma_wait3A_399 = arith.constant 0 : i32
    %dma_wait3A_400 = tpu.memref_slice %arg2[%dma_wait3A_398, %dma_wait3A_399] : memref<32768x16xf32, #tpu.memory_space<hbm>> -> memref<32768x16xf32, #tpu.memory_space<hbm>>
    tpu.wait_indirect_dma semaphore(%arg12 : memref<!tpu.dma_semaphore, #tpu.memory_space<semaphore_mem>>) src(%dma_wait3A_400 : memref<32768x16xf32, #tpu.memory_space<hbm>>) dst(%dma_wait3A_394 : memref<128x16xf32, #tpu.memory_space<vmem>>)
    %dma_wait3A_401 = arith.constant 2 : i32
    %dma_wait3A_402 = arith.constant 256 : i32
    %dma_wait3A_403 = arith.constant 0 : i32
    %dma_wait3A_404 = tpu.memref_slice %arg10[%dma_wait3A_402, %dma_wait3A_403] : memref<2048x16xf32, #tpu.memory_space<vmem>> -> memref<128x16xf32, #tpu.memory_space<vmem>>
    %dma_wait3A_405 = arith.constant 0 : i32
    %dma_wait3A_406 = tpu.memref_slice %arg8[%dma_wait3A_401, %dma_wait3A_405] : memref<16x128xi32, #tpu.memory_space<vmem>> -> memref<1x128xi32, #tpu.memory_space<vmem>>
    %dma_wait3A_407 = tpu.memref_squeeze %dma_wait3A_406 : memref<1x128xi32, #tpu.memory_space<vmem>> -> memref<128xi32, #tpu.memory_space<vmem>>
    %dma_wait3A_408 = arith.constant 0 : i32
    %dma_wait3A_409 = arith.constant 0 : i32
    %dma_wait3A_410 = tpu.memref_slice %arg3[%dma_wait3A_408, %dma_wait3A_409] : memref<2048x16xf32, #tpu.memory_space<hbm>> -> memref<2048x16xf32, #tpu.memory_space<hbm>>
    tpu.wait_indirect_dma semaphore(%arg13 : memref<!tpu.dma_semaphore, #tpu.memory_space<semaphore_mem>>) src(%dma_wait3A_410 : memref<2048x16xf32, #tpu.memory_space<hbm>>) dst(%dma_wait3A_404 : memref<128x16xf32, #tpu.memory_space<vmem>>)
    %dma_wait3A_411 = arith.constant 3 : i32
    %dma_wait3A_412 = arith.constant 384 : i32
    %dma_wait3A_413 = arith.constant 0 : i32
    %dma_wait3A_414 = tpu.memref_slice %arg9[%dma_wait3A_412, %dma_wait3A_413] : memref<2048x16xf32, #tpu.memory_space<vmem>> -> memref<128x16xf32, #tpu.memory_space<vmem>>
    %dma_wait3A_415 = arith.constant 0 : i32
    %dma_wait3A_416 = tpu.memref_slice %arg7[%dma_wait3A_411, %dma_wait3A_415] : memref<16x128xi32, #tpu.memory_space<vmem>> -> memref<1x128xi32, #tpu.memory_space<vmem>>
    %dma_wait3A_417 = tpu.memref_squeeze %dma_wait3A_416 : memref<1x128xi32, #tpu.memory_space<vmem>> -> memref<128xi32, #tpu.memory_space<vmem>>
    %dma_wait3A_418 = arith.constant 0 : i32
    %dma_wait3A_419 = arith.constant 0 : i32
    %dma_wait3A_420 = tpu.memref_slice %arg2[%dma_wait3A_418, %dma_wait3A_419] : memref<32768x16xf32, #tpu.memory_space<hbm>> -> memref<32768x16xf32, #tpu.memory_space<hbm>>
    tpu.wait_indirect_dma semaphore(%arg12 : memref<!tpu.dma_semaphore, #tpu.memory_space<semaphore_mem>>) src(%dma_wait3A_420 : memref<32768x16xf32, #tpu.memory_space<hbm>>) dst(%dma_wait3A_414 : memref<128x16xf32, #tpu.memory_space<vmem>>)
    %dma_wait3A_421 = arith.constant 3 : i32
    %dma_wait3A_422 = arith.constant 384 : i32
    %dma_wait3A_423 = arith.constant 0 : i32
    %dma_wait3A_424 = tpu.memref_slice %arg10[%dma_wait3A_422, %dma_wait3A_423] : memref<2048x16xf32, #tpu.memory_space<vmem>> -> memref<128x16xf32, #tpu.memory_space<vmem>>
    %dma_wait3A_425 = arith.constant 0 : i32
    %dma_wait3A_426 = tpu.memref_slice %arg8[%dma_wait3A_421, %dma_wait3A_425] : memref<16x128xi32, #tpu.memory_space<vmem>> -> memref<1x128xi32, #tpu.memory_space<vmem>>
    %dma_wait3A_427 = tpu.memref_squeeze %dma_wait3A_426 : memref<1x128xi32, #tpu.memory_space<vmem>> -> memref<128xi32, #tpu.memory_space<vmem>>
    %dma_wait3A_428 = arith.constant 0 : i32
    %dma_wait3A_429 = arith.constant 0 : i32
    %dma_wait3A_430 = tpu.memref_slice %arg3[%dma_wait3A_428, %dma_wait3A_429] : memref<2048x16xf32, #tpu.memory_space<hbm>> -> memref<2048x16xf32, #tpu.memory_space<hbm>>
    tpu.wait_indirect_dma semaphore(%arg13 : memref<!tpu.dma_semaphore, #tpu.memory_space<semaphore_mem>>) src(%dma_wait3A_430 : memref<2048x16xf32, #tpu.memory_space<hbm>>) dst(%dma_wait3A_424 : memref<128x16xf32, #tpu.memory_space<vmem>>)
    %dma_wait3A_431 = arith.constant 4 : i32
    %dma_wait3A_432 = arith.constant 512 : i32
    %dma_wait3A_433 = arith.constant 0 : i32
    %dma_wait3A_434 = tpu.memref_slice %arg9[%dma_wait3A_432, %dma_wait3A_433] : memref<2048x16xf32, #tpu.memory_space<vmem>> -> memref<128x16xf32, #tpu.memory_space<vmem>>
    %dma_wait3A_435 = arith.constant 0 : i32
    %dma_wait3A_436 = tpu.memref_slice %arg7[%dma_wait3A_431, %dma_wait3A_435] : memref<16x128xi32, #tpu.memory_space<vmem>> -> memref<1x128xi32, #tpu.memory_space<vmem>>
    %dma_wait3A_437 = tpu.memref_squeeze %dma_wait3A_436 : memref<1x128xi32, #tpu.memory_space<vmem>> -> memref<128xi32, #tpu.memory_space<vmem>>
    %dma_wait3A_438 = arith.constant 0 : i32
    %dma_wait3A_439 = arith.constant 0 : i32
    %dma_wait3A_440 = tpu.memref_slice %arg2[%dma_wait3A_438, %dma_wait3A_439] : memref<32768x16xf32, #tpu.memory_space<hbm>> -> memref<32768x16xf32, #tpu.memory_space<hbm>>
    tpu.wait_indirect_dma semaphore(%arg12 : memref<!tpu.dma_semaphore, #tpu.memory_space<semaphore_mem>>) src(%dma_wait3A_440 : memref<32768x16xf32, #tpu.memory_space<hbm>>) dst(%dma_wait3A_434 : memref<128x16xf32, #tpu.memory_space<vmem>>)
    %dma_wait3A_441 = arith.constant 4 : i32
    %dma_wait3A_442 = arith.constant 512 : i32
    %dma_wait3A_443 = arith.constant 0 : i32
    %dma_wait3A_444 = tpu.memref_slice %arg10[%dma_wait3A_442, %dma_wait3A_443] : memref<2048x16xf32, #tpu.memory_space<vmem>> -> memref<128x16xf32, #tpu.memory_space<vmem>>
    %dma_wait3A_445 = arith.constant 0 : i32
    %dma_wait3A_446 = tpu.memref_slice %arg8[%dma_wait3A_441, %dma_wait3A_445] : memref<16x128xi32, #tpu.memory_space<vmem>> -> memref<1x128xi32, #tpu.memory_space<vmem>>
    %dma_wait3A_447 = tpu.memref_squeeze %dma_wait3A_446 : memref<1x128xi32, #tpu.memory_space<vmem>> -> memref<128xi32, #tpu.memory_space<vmem>>
    %dma_wait3A_448 = arith.constant 0 : i32
    %dma_wait3A_449 = arith.constant 0 : i32
    %dma_wait3A_450 = tpu.memref_slice %arg3[%dma_wait3A_448, %dma_wait3A_449] : memref<2048x16xf32, #tpu.memory_space<hbm>> -> memref<2048x16xf32, #tpu.memory_space<hbm>>
    tpu.wait_indirect_dma semaphore(%arg13 : memref<!tpu.dma_semaphore, #tpu.memory_space<semaphore_mem>>) src(%dma_wait3A_450 : memref<2048x16xf32, #tpu.memory_space<hbm>>) dst(%dma_wait3A_444 : memref<128x16xf32, #tpu.memory_space<vmem>>)
    %dma_wait3A_451 = arith.constant 5 : i32
    %dma_wait3A_452 = arith.constant 640 : i32
    %dma_wait3A_453 = arith.constant 0 : i32
    %dma_wait3A_454 = tpu.memref_slice %arg9[%dma_wait3A_452, %dma_wait3A_453] : memref<2048x16xf32, #tpu.memory_space<vmem>> -> memref<128x16xf32, #tpu.memory_space<vmem>>
    %dma_wait3A_455 = arith.constant 0 : i32
    %dma_wait3A_456 = tpu.memref_slice %arg7[%dma_wait3A_451, %dma_wait3A_455] : memref<16x128xi32, #tpu.memory_space<vmem>> -> memref<1x128xi32, #tpu.memory_space<vmem>>
    %dma_wait3A_457 = tpu.memref_squeeze %dma_wait3A_456 : memref<1x128xi32, #tpu.memory_space<vmem>> -> memref<128xi32, #tpu.memory_space<vmem>>
    %dma_wait3A_458 = arith.constant 0 : i32
    %dma_wait3A_459 = arith.constant 0 : i32
    %dma_wait3A_460 = tpu.memref_slice %arg2[%dma_wait3A_458, %dma_wait3A_459] : memref<32768x16xf32, #tpu.memory_space<hbm>> -> memref<32768x16xf32, #tpu.memory_space<hbm>>
    tpu.wait_indirect_dma semaphore(%arg12 : memref<!tpu.dma_semaphore, #tpu.memory_space<semaphore_mem>>) src(%dma_wait3A_460 : memref<32768x16xf32, #tpu.memory_space<hbm>>) dst(%dma_wait3A_454 : memref<128x16xf32, #tpu.memory_space<vmem>>)
    %dma_wait3A_461 = arith.constant 5 : i32
    %dma_wait3A_462 = arith.constant 640 : i32
    %dma_wait3A_463 = arith.constant 0 : i32
    %dma_wait3A_464 = tpu.memref_slice %arg10[%dma_wait3A_462, %dma_wait3A_463] : memref<2048x16xf32, #tpu.memory_space<vmem>> -> memref<128x16xf32, #tpu.memory_space<vmem>>
    %dma_wait3A_465 = arith.constant 0 : i32
    %dma_wait3A_466 = tpu.memref_slice %arg8[%dma_wait3A_461, %dma_wait3A_465] : memref<16x128xi32, #tpu.memory_space<vmem>> -> memref<1x128xi32, #tpu.memory_space<vmem>>
    %dma_wait3A_467 = tpu.memref_squeeze %dma_wait3A_466 : memref<1x128xi32, #tpu.memory_space<vmem>> -> memref<128xi32, #tpu.memory_space<vmem>>
    %dma_wait3A_468 = arith.constant 0 : i32
    %dma_wait3A_469 = arith.constant 0 : i32
    %dma_wait3A_470 = tpu.memref_slice %arg3[%dma_wait3A_468, %dma_wait3A_469] : memref<2048x16xf32, #tpu.memory_space<hbm>> -> memref<2048x16xf32, #tpu.memory_space<hbm>>
    tpu.wait_indirect_dma semaphore(%arg13 : memref<!tpu.dma_semaphore, #tpu.memory_space<semaphore_mem>>) src(%dma_wait3A_470 : memref<2048x16xf32, #tpu.memory_space<hbm>>) dst(%dma_wait3A_464 : memref<128x16xf32, #tpu.memory_space<vmem>>)
    %dma_wait3A_471 = arith.constant 6 : i32
    %dma_wait3A_472 = arith.constant 768 : i32
    %dma_wait3A_473 = arith.constant 0 : i32
    %dma_wait3A_474 = tpu.memref_slice %arg9[%dma_wait3A_472, %dma_wait3A_473] : memref<2048x16xf32, #tpu.memory_space<vmem>> -> memref<128x16xf32, #tpu.memory_space<vmem>>
    %dma_wait3A_475 = arith.constant 0 : i32
    %dma_wait3A_476 = tpu.memref_slice %arg7[%dma_wait3A_471, %dma_wait3A_475] : memref<16x128xi32, #tpu.memory_space<vmem>> -> memref<1x128xi32, #tpu.memory_space<vmem>>
    %dma_wait3A_477 = tpu.memref_squeeze %dma_wait3A_476 : memref<1x128xi32, #tpu.memory_space<vmem>> -> memref<128xi32, #tpu.memory_space<vmem>>
    %dma_wait3A_478 = arith.constant 0 : i32
    %dma_wait3A_479 = arith.constant 0 : i32
    %dma_wait3A_480 = tpu.memref_slice %arg2[%dma_wait3A_478, %dma_wait3A_479] : memref<32768x16xf32, #tpu.memory_space<hbm>> -> memref<32768x16xf32, #tpu.memory_space<hbm>>
    tpu.wait_indirect_dma semaphore(%arg12 : memref<!tpu.dma_semaphore, #tpu.memory_space<semaphore_mem>>) src(%dma_wait3A_480 : memref<32768x16xf32, #tpu.memory_space<hbm>>) dst(%dma_wait3A_474 : memref<128x16xf32, #tpu.memory_space<vmem>>)
    %dma_wait3A_481 = arith.constant 6 : i32
    %dma_wait3A_482 = arith.constant 768 : i32
    %dma_wait3A_483 = arith.constant 0 : i32
    %dma_wait3A_484 = tpu.memref_slice %arg10[%dma_wait3A_482, %dma_wait3A_483] : memref<2048x16xf32, #tpu.memory_space<vmem>> -> memref<128x16xf32, #tpu.memory_space<vmem>>
    %dma_wait3A_485 = arith.constant 0 : i32
    %dma_wait3A_486 = tpu.memref_slice %arg8[%dma_wait3A_481, %dma_wait3A_485] : memref<16x128xi32, #tpu.memory_space<vmem>> -> memref<1x128xi32, #tpu.memory_space<vmem>>
    %dma_wait3A_487 = tpu.memref_squeeze %dma_wait3A_486 : memref<1x128xi32, #tpu.memory_space<vmem>> -> memref<128xi32, #tpu.memory_space<vmem>>
    %dma_wait3A_488 = arith.constant 0 : i32
    %dma_wait3A_489 = arith.constant 0 : i32
    %dma_wait3A_490 = tpu.memref_slice %arg3[%dma_wait3A_488, %dma_wait3A_489] : memref<2048x16xf32, #tpu.memory_space<hbm>> -> memref<2048x16xf32, #tpu.memory_space<hbm>>
    tpu.wait_indirect_dma semaphore(%arg13 : memref<!tpu.dma_semaphore, #tpu.memory_space<semaphore_mem>>) src(%dma_wait3A_490 : memref<2048x16xf32, #tpu.memory_space<hbm>>) dst(%dma_wait3A_484 : memref<128x16xf32, #tpu.memory_space<vmem>>)
    %dma_wait3A_491 = arith.constant 7 : i32
    %dma_wait3A_492 = arith.constant 896 : i32
    %dma_wait3A_493 = arith.constant 0 : i32
    %dma_wait3A_494 = tpu.memref_slice %arg9[%dma_wait3A_492, %dma_wait3A_493] : memref<2048x16xf32, #tpu.memory_space<vmem>> -> memref<128x16xf32, #tpu.memory_space<vmem>>
    %dma_wait3A_495 = arith.constant 0 : i32
    %dma_wait3A_496 = tpu.memref_slice %arg7[%dma_wait3A_491, %dma_wait3A_495] : memref<16x128xi32, #tpu.memory_space<vmem>> -> memref<1x128xi32, #tpu.memory_space<vmem>>
    %dma_wait3A_497 = tpu.memref_squeeze %dma_wait3A_496 : memref<1x128xi32, #tpu.memory_space<vmem>> -> memref<128xi32, #tpu.memory_space<vmem>>
    %dma_wait3A_498 = arith.constant 0 : i32
    %dma_wait3A_499 = arith.constant 0 : i32
    %dma_wait3A_500 = tpu.memref_slice %arg2[%dma_wait3A_498, %dma_wait3A_499] : memref<32768x16xf32, #tpu.memory_space<hbm>> -> memref<32768x16xf32, #tpu.memory_space<hbm>>
    tpu.wait_indirect_dma semaphore(%arg12 : memref<!tpu.dma_semaphore, #tpu.memory_space<semaphore_mem>>) src(%dma_wait3A_500 : memref<32768x16xf32, #tpu.memory_space<hbm>>) dst(%dma_wait3A_494 : memref<128x16xf32, #tpu.memory_space<vmem>>)
    %dma_wait3A_501 = arith.constant 7 : i32
    %dma_wait3A_502 = arith.constant 896 : i32
    %dma_wait3A_503 = arith.constant 0 : i32
    %dma_wait3A_504 = tpu.memref_slice %arg10[%dma_wait3A_502, %dma_wait3A_503] : memref<2048x16xf32, #tpu.memory_space<vmem>> -> memref<128x16xf32, #tpu.memory_space<vmem>>
    %dma_wait3A_505 = arith.constant 0 : i32
    %dma_wait3A_506 = tpu.memref_slice %arg8[%dma_wait3A_501, %dma_wait3A_505] : memref<16x128xi32, #tpu.memory_space<vmem>> -> memref<1x128xi32, #tpu.memory_space<vmem>>
    %dma_wait3A_507 = tpu.memref_squeeze %dma_wait3A_506 : memref<1x128xi32, #tpu.memory_space<vmem>> -> memref<128xi32, #tpu.memory_space<vmem>>
    %dma_wait3A_508 = arith.constant 0 : i32
    %dma_wait3A_509 = arith.constant 0 : i32
    %dma_wait3A_510 = tpu.memref_slice %arg3[%dma_wait3A_508, %dma_wait3A_509] : memref<2048x16xf32, #tpu.memory_space<hbm>> -> memref<2048x16xf32, #tpu.memory_space<hbm>>
    tpu.wait_indirect_dma semaphore(%arg13 : memref<!tpu.dma_semaphore, #tpu.memory_space<semaphore_mem>>) src(%dma_wait3A_510 : memref<2048x16xf32, #tpu.memory_space<hbm>>) dst(%dma_wait3A_504 : memref<128x16xf32, #tpu.memory_space<vmem>>)
    %dma_wait3A_511 = arith.constant 8 : i32
    %dma_wait3A_512 = arith.constant 1024 : i32
    %dma_wait3A_513 = arith.constant 0 : i32
    %dma_wait3A_514 = tpu.memref_slice %arg9[%dma_wait3A_512, %dma_wait3A_513] : memref<2048x16xf32, #tpu.memory_space<vmem>> -> memref<128x16xf32, #tpu.memory_space<vmem>>
    %dma_wait3A_515 = arith.constant 0 : i32
    %dma_wait3A_516 = tpu.memref_slice %arg7[%dma_wait3A_511, %dma_wait3A_515] : memref<16x128xi32, #tpu.memory_space<vmem>> -> memref<1x128xi32, #tpu.memory_space<vmem>>
    %dma_wait3A_517 = tpu.memref_squeeze %dma_wait3A_516 : memref<1x128xi32, #tpu.memory_space<vmem>> -> memref<128xi32, #tpu.memory_space<vmem>>
    %dma_wait3A_518 = arith.constant 0 : i32
    %dma_wait3A_519 = arith.constant 0 : i32
    %dma_wait3A_520 = tpu.memref_slice %arg2[%dma_wait3A_518, %dma_wait3A_519] : memref<32768x16xf32, #tpu.memory_space<hbm>> -> memref<32768x16xf32, #tpu.memory_space<hbm>>
    tpu.wait_indirect_dma semaphore(%arg12 : memref<!tpu.dma_semaphore, #tpu.memory_space<semaphore_mem>>) src(%dma_wait3A_520 : memref<32768x16xf32, #tpu.memory_space<hbm>>) dst(%dma_wait3A_514 : memref<128x16xf32, #tpu.memory_space<vmem>>)
    %dma_wait3A_521 = arith.constant 8 : i32
    %dma_wait3A_522 = arith.constant 1024 : i32
    %dma_wait3A_523 = arith.constant 0 : i32
    %dma_wait3A_524 = tpu.memref_slice %arg10[%dma_wait3A_522, %dma_wait3A_523] : memref<2048x16xf32, #tpu.memory_space<vmem>> -> memref<128x16xf32, #tpu.memory_space<vmem>>
    %dma_wait3A_525 = arith.constant 0 : i32
    %dma_wait3A_526 = tpu.memref_slice %arg8[%dma_wait3A_521, %dma_wait3A_525] : memref<16x128xi32, #tpu.memory_space<vmem>> -> memref<1x128xi32, #tpu.memory_space<vmem>>
    %dma_wait3A_527 = tpu.memref_squeeze %dma_wait3A_526 : memref<1x128xi32, #tpu.memory_space<vmem>> -> memref<128xi32, #tpu.memory_space<vmem>>
    %dma_wait3A_528 = arith.constant 0 : i32
    %dma_wait3A_529 = arith.constant 0 : i32
    %dma_wait3A_530 = tpu.memref_slice %arg3[%dma_wait3A_528, %dma_wait3A_529] : memref<2048x16xf32, #tpu.memory_space<hbm>> -> memref<2048x16xf32, #tpu.memory_space<hbm>>
    tpu.wait_indirect_dma semaphore(%arg13 : memref<!tpu.dma_semaphore, #tpu.memory_space<semaphore_mem>>) src(%dma_wait3A_530 : memref<2048x16xf32, #tpu.memory_space<hbm>>) dst(%dma_wait3A_524 : memref<128x16xf32, #tpu.memory_space<vmem>>)
    %dma_wait3A_531 = arith.constant 9 : i32
    %dma_wait3A_532 = arith.constant 1152 : i32
    %dma_wait3A_533 = arith.constant 0 : i32
    %dma_wait3A_534 = tpu.memref_slice %arg9[%dma_wait3A_532, %dma_wait3A_533] : memref<2048x16xf32, #tpu.memory_space<vmem>> -> memref<128x16xf32, #tpu.memory_space<vmem>>
    %dma_wait3A_535 = arith.constant 0 : i32
    %dma_wait3A_536 = tpu.memref_slice %arg7[%dma_wait3A_531, %dma_wait3A_535] : memref<16x128xi32, #tpu.memory_space<vmem>> -> memref<1x128xi32, #tpu.memory_space<vmem>>
    %dma_wait3A_537 = tpu.memref_squeeze %dma_wait3A_536 : memref<1x128xi32, #tpu.memory_space<vmem>> -> memref<128xi32, #tpu.memory_space<vmem>>
    %dma_wait3A_538 = arith.constant 0 : i32
    %dma_wait3A_539 = arith.constant 0 : i32
    %dma_wait3A_540 = tpu.memref_slice %arg2[%dma_wait3A_538, %dma_wait3A_539] : memref<32768x16xf32, #tpu.memory_space<hbm>> -> memref<32768x16xf32, #tpu.memory_space<hbm>>
    tpu.wait_indirect_dma semaphore(%arg12 : memref<!tpu.dma_semaphore, #tpu.memory_space<semaphore_mem>>) src(%dma_wait3A_540 : memref<32768x16xf32, #tpu.memory_space<hbm>>) dst(%dma_wait3A_534 : memref<128x16xf32, #tpu.memory_space<vmem>>)
    %dma_wait3A_541 = arith.constant 9 : i32
    %dma_wait3A_542 = arith.constant 1152 : i32
    %dma_wait3A_543 = arith.constant 0 : i32
    %dma_wait3A_544 = tpu.memref_slice %arg10[%dma_wait3A_542, %dma_wait3A_543] : memref<2048x16xf32, #tpu.memory_space<vmem>> -> memref<128x16xf32, #tpu.memory_space<vmem>>
    %dma_wait3A_545 = arith.constant 0 : i32
    %dma_wait3A_546 = tpu.memref_slice %arg8[%dma_wait3A_541, %dma_wait3A_545] : memref<16x128xi32, #tpu.memory_space<vmem>> -> memref<1x128xi32, #tpu.memory_space<vmem>>
    %dma_wait3A_547 = tpu.memref_squeeze %dma_wait3A_546 : memref<1x128xi32, #tpu.memory_space<vmem>> -> memref<128xi32, #tpu.memory_space<vmem>>
    %dma_wait3A_548 = arith.constant 0 : i32
    %dma_wait3A_549 = arith.constant 0 : i32
    %dma_wait3A_550 = tpu.memref_slice %arg3[%dma_wait3A_548, %dma_wait3A_549] : memref<2048x16xf32, #tpu.memory_space<hbm>> -> memref<2048x16xf32, #tpu.memory_space<hbm>>
    tpu.wait_indirect_dma semaphore(%arg13 : memref<!tpu.dma_semaphore, #tpu.memory_space<semaphore_mem>>) src(%dma_wait3A_550 : memref<2048x16xf32, #tpu.memory_space<hbm>>) dst(%dma_wait3A_544 : memref<128x16xf32, #tpu.memory_space<vmem>>)
    %dma_wait3A_551 = arith.constant 10 : i32
    %dma_wait3A_552 = arith.constant 1280 : i32
    %dma_wait3A_553 = arith.constant 0 : i32
    %dma_wait3A_554 = tpu.memref_slice %arg9[%dma_wait3A_552, %dma_wait3A_553] : memref<2048x16xf32, #tpu.memory_space<vmem>> -> memref<128x16xf32, #tpu.memory_space<vmem>>
    %dma_wait3A_555 = arith.constant 0 : i32
    %dma_wait3A_556 = tpu.memref_slice %arg7[%dma_wait3A_551, %dma_wait3A_555] : memref<16x128xi32, #tpu.memory_space<vmem>> -> memref<1x128xi32, #tpu.memory_space<vmem>>
    %dma_wait3A_557 = tpu.memref_squeeze %dma_wait3A_556 : memref<1x128xi32, #tpu.memory_space<vmem>> -> memref<128xi32, #tpu.memory_space<vmem>>
    %dma_wait3A_558 = arith.constant 0 : i32
    %dma_wait3A_559 = arith.constant 0 : i32
    %dma_wait3A_560 = tpu.memref_slice %arg2[%dma_wait3A_558, %dma_wait3A_559] : memref<32768x16xf32, #tpu.memory_space<hbm>> -> memref<32768x16xf32, #tpu.memory_space<hbm>>
    tpu.wait_indirect_dma semaphore(%arg12 : memref<!tpu.dma_semaphore, #tpu.memory_space<semaphore_mem>>) src(%dma_wait3A_560 : memref<32768x16xf32, #tpu.memory_space<hbm>>) dst(%dma_wait3A_554 : memref<128x16xf32, #tpu.memory_space<vmem>>)
    %dma_wait3A_561 = arith.constant 10 : i32
    %dma_wait3A_562 = arith.constant 1280 : i32
    %dma_wait3A_563 = arith.constant 0 : i32
    %dma_wait3A_564 = tpu.memref_slice %arg10[%dma_wait3A_562, %dma_wait3A_563] : memref<2048x16xf32, #tpu.memory_space<vmem>> -> memref<128x16xf32, #tpu.memory_space<vmem>>
    %dma_wait3A_565 = arith.constant 0 : i32
    %dma_wait3A_566 = tpu.memref_slice %arg8[%dma_wait3A_561, %dma_wait3A_565] : memref<16x128xi32, #tpu.memory_space<vmem>> -> memref<1x128xi32, #tpu.memory_space<vmem>>
    %dma_wait3A_567 = tpu.memref_squeeze %dma_wait3A_566 : memref<1x128xi32, #tpu.memory_space<vmem>> -> memref<128xi32, #tpu.memory_space<vmem>>
    %dma_wait3A_568 = arith.constant 0 : i32
    %dma_wait3A_569 = arith.constant 0 : i32
    %dma_wait3A_570 = tpu.memref_slice %arg3[%dma_wait3A_568, %dma_wait3A_569] : memref<2048x16xf32, #tpu.memory_space<hbm>> -> memref<2048x16xf32, #tpu.memory_space<hbm>>
    tpu.wait_indirect_dma semaphore(%arg13 : memref<!tpu.dma_semaphore, #tpu.memory_space<semaphore_mem>>) src(%dma_wait3A_570 : memref<2048x16xf32, #tpu.memory_space<hbm>>) dst(%dma_wait3A_564 : memref<128x16xf32, #tpu.memory_space<vmem>>)
    %dma_wait3A_571 = arith.constant 11 : i32
    %dma_wait3A_572 = arith.constant 1408 : i32
    %dma_wait3A_573 = arith.constant 0 : i32
    %dma_wait3A_574 = tpu.memref_slice %arg9[%dma_wait3A_572, %dma_wait3A_573] : memref<2048x16xf32, #tpu.memory_space<vmem>> -> memref<128x16xf32, #tpu.memory_space<vmem>>
    %dma_wait3A_575 = arith.constant 0 : i32
    %dma_wait3A_576 = tpu.memref_slice %arg7[%dma_wait3A_571, %dma_wait3A_575] : memref<16x128xi32, #tpu.memory_space<vmem>> -> memref<1x128xi32, #tpu.memory_space<vmem>>
    %dma_wait3A_577 = tpu.memref_squeeze %dma_wait3A_576 : memref<1x128xi32, #tpu.memory_space<vmem>> -> memref<128xi32, #tpu.memory_space<vmem>>
    %dma_wait3A_578 = arith.constant 0 : i32
    %dma_wait3A_579 = arith.constant 0 : i32
    %dma_wait3A_580 = tpu.memref_slice %arg2[%dma_wait3A_578, %dma_wait3A_579] : memref<32768x16xf32, #tpu.memory_space<hbm>> -> memref<32768x16xf32, #tpu.memory_space<hbm>>
    tpu.wait_indirect_dma semaphore(%arg12 : memref<!tpu.dma_semaphore, #tpu.memory_space<semaphore_mem>>) src(%dma_wait3A_580 : memref<32768x16xf32, #tpu.memory_space<hbm>>) dst(%dma_wait3A_574 : memref<128x16xf32, #tpu.memory_space<vmem>>)
    %dma_wait3A_581 = arith.constant 11 : i32
    %dma_wait3A_582 = arith.constant 1408 : i32
    %dma_wait3A_583 = arith.constant 0 : i32
    %dma_wait3A_584 = tpu.memref_slice %arg10[%dma_wait3A_582, %dma_wait3A_583] : memref<2048x16xf32, #tpu.memory_space<vmem>> -> memref<128x16xf32, #tpu.memory_space<vmem>>
    %dma_wait3A_585 = arith.constant 0 : i32
    %dma_wait3A_586 = tpu.memref_slice %arg8[%dma_wait3A_581, %dma_wait3A_585] : memref<16x128xi32, #tpu.memory_space<vmem>> -> memref<1x128xi32, #tpu.memory_space<vmem>>
    %dma_wait3A_587 = tpu.memref_squeeze %dma_wait3A_586 : memref<1x128xi32, #tpu.memory_space<vmem>> -> memref<128xi32, #tpu.memory_space<vmem>>
    %dma_wait3A_588 = arith.constant 0 : i32
    %dma_wait3A_589 = arith.constant 0 : i32
    %dma_wait3A_590 = tpu.memref_slice %arg3[%dma_wait3A_588, %dma_wait3A_589] : memref<2048x16xf32, #tpu.memory_space<hbm>> -> memref<2048x16xf32, #tpu.memory_space<hbm>>
    tpu.wait_indirect_dma semaphore(%arg13 : memref<!tpu.dma_semaphore, #tpu.memory_space<semaphore_mem>>) src(%dma_wait3A_590 : memref<2048x16xf32, #tpu.memory_space<hbm>>) dst(%dma_wait3A_584 : memref<128x16xf32, #tpu.memory_space<vmem>>)
    %dma_wait3A_591 = arith.constant 12 : i32
    %dma_wait3A_592 = arith.constant 1536 : i32
    %dma_wait3A_593 = arith.constant 0 : i32
    %dma_wait3A_594 = tpu.memref_slice %arg9[%dma_wait3A_592, %dma_wait3A_593] : memref<2048x16xf32, #tpu.memory_space<vmem>> -> memref<128x16xf32, #tpu.memory_space<vmem>>
    %dma_wait3A_595 = arith.constant 0 : i32
    %dma_wait3A_596 = tpu.memref_slice %arg7[%dma_wait3A_591, %dma_wait3A_595] : memref<16x128xi32, #tpu.memory_space<vmem>> -> memref<1x128xi32, #tpu.memory_space<vmem>>
    %dma_wait3A_597 = tpu.memref_squeeze %dma_wait3A_596 : memref<1x128xi32, #tpu.memory_space<vmem>> -> memref<128xi32, #tpu.memory_space<vmem>>
    %dma_wait3A_598 = arith.constant 0 : i32
    %dma_wait3A_599 = arith.constant 0 : i32
    %dma_wait3A_600 = tpu.memref_slice %arg2[%dma_wait3A_598, %dma_wait3A_599] : memref<32768x16xf32, #tpu.memory_space<hbm>> -> memref<32768x16xf32, #tpu.memory_space<hbm>>
    tpu.wait_indirect_dma semaphore(%arg12 : memref<!tpu.dma_semaphore, #tpu.memory_space<semaphore_mem>>) src(%dma_wait3A_600 : memref<32768x16xf32, #tpu.memory_space<hbm>>) dst(%dma_wait3A_594 : memref<128x16xf32, #tpu.memory_space<vmem>>)
    %dma_wait3A_601 = arith.constant 12 : i32
    %dma_wait3A_602 = arith.constant 1536 : i32
    %dma_wait3A_603 = arith.constant 0 : i32
    %dma_wait3A_604 = tpu.memref_slice %arg10[%dma_wait3A_602, %dma_wait3A_603] : memref<2048x16xf32, #tpu.memory_space<vmem>> -> memref<128x16xf32, #tpu.memory_space<vmem>>
    %dma_wait3A_605 = arith.constant 0 : i32
    %dma_wait3A_606 = tpu.memref_slice %arg8[%dma_wait3A_601, %dma_wait3A_605] : memref<16x128xi32, #tpu.memory_space<vmem>> -> memref<1x128xi32, #tpu.memory_space<vmem>>
    %dma_wait3A_607 = tpu.memref_squeeze %dma_wait3A_606 : memref<1x128xi32, #tpu.memory_space<vmem>> -> memref<128xi32, #tpu.memory_space<vmem>>
    %dma_wait3A_608 = arith.constant 0 : i32
    %dma_wait3A_609 = arith.constant 0 : i32
    %dma_wait3A_610 = tpu.memref_slice %arg3[%dma_wait3A_608, %dma_wait3A_609] : memref<2048x16xf32, #tpu.memory_space<hbm>> -> memref<2048x16xf32, #tpu.memory_space<hbm>>
    tpu.wait_indirect_dma semaphore(%arg13 : memref<!tpu.dma_semaphore, #tpu.memory_space<semaphore_mem>>) src(%dma_wait3A_610 : memref<2048x16xf32, #tpu.memory_space<hbm>>) dst(%dma_wait3A_604 : memref<128x16xf32, #tpu.memory_space<vmem>>)
    %dma_wait3A_611 = arith.constant 13 : i32
    %dma_wait3A_612 = arith.constant 1664 : i32
    %dma_wait3A_613 = arith.constant 0 : i32
    %dma_wait3A_614 = tpu.memref_slice %arg9[%dma_wait3A_612, %dma_wait3A_613] : memref<2048x16xf32, #tpu.memory_space<vmem>> -> memref<128x16xf32, #tpu.memory_space<vmem>>
    %dma_wait3A_615 = arith.constant 0 : i32
    %dma_wait3A_616 = tpu.memref_slice %arg7[%dma_wait3A_611, %dma_wait3A_615] : memref<16x128xi32, #tpu.memory_space<vmem>> -> memref<1x128xi32, #tpu.memory_space<vmem>>
    %dma_wait3A_617 = tpu.memref_squeeze %dma_wait3A_616 : memref<1x128xi32, #tpu.memory_space<vmem>> -> memref<128xi32, #tpu.memory_space<vmem>>
    %dma_wait3A_618 = arith.constant 0 : i32
    %dma_wait3A_619 = arith.constant 0 : i32
    %dma_wait3A_620 = tpu.memref_slice %arg2[%dma_wait3A_618, %dma_wait3A_619] : memref<32768x16xf32, #tpu.memory_space<hbm>> -> memref<32768x16xf32, #tpu.memory_space<hbm>>
    tpu.wait_indirect_dma semaphore(%arg12 : memref<!tpu.dma_semaphore, #tpu.memory_space<semaphore_mem>>) src(%dma_wait3A_620 : memref<32768x16xf32, #tpu.memory_space<hbm>>) dst(%dma_wait3A_614 : memref<128x16xf32, #tpu.memory_space<vmem>>)
    %dma_wait3A_621 = arith.constant 13 : i32
    %dma_wait3A_622 = arith.constant 1664 : i32
    %dma_wait3A_623 = arith.constant 0 : i32
    %dma_wait3A_624 = tpu.memref_slice %arg10[%dma_wait3A_622, %dma_wait3A_623] : memref<2048x16xf32, #tpu.memory_space<vmem>> -> memref<128x16xf32, #tpu.memory_space<vmem>>
    %dma_wait3A_625 = arith.constant 0 : i32
    %dma_wait3A_626 = tpu.memref_slice %arg8[%dma_wait3A_621, %dma_wait3A_625] : memref<16x128xi32, #tpu.memory_space<vmem>> -> memref<1x128xi32, #tpu.memory_space<vmem>>
    %dma_wait3A_627 = tpu.memref_squeeze %dma_wait3A_626 : memref<1x128xi32, #tpu.memory_space<vmem>> -> memref<128xi32, #tpu.memory_space<vmem>>
    %dma_wait3A_628 = arith.constant 0 : i32
    %dma_wait3A_629 = arith.constant 0 : i32
    %dma_wait3A_630 = tpu.memref_slice %arg3[%dma_wait3A_628, %dma_wait3A_629] : memref<2048x16xf32, #tpu.memory_space<hbm>> -> memref<2048x16xf32, #tpu.memory_space<hbm>>
    tpu.wait_indirect_dma semaphore(%arg13 : memref<!tpu.dma_semaphore, #tpu.memory_space<semaphore_mem>>) src(%dma_wait3A_630 : memref<2048x16xf32, #tpu.memory_space<hbm>>) dst(%dma_wait3A_624 : memref<128x16xf32, #tpu.memory_space<vmem>>)
    %dma_wait3A_631 = arith.constant 14 : i32
    %dma_wait3A_632 = arith.constant 1792 : i32
    %dma_wait3A_633 = arith.constant 0 : i32
    %dma_wait3A_634 = tpu.memref_slice %arg9[%dma_wait3A_632, %dma_wait3A_633] : memref<2048x16xf32, #tpu.memory_space<vmem>> -> memref<128x16xf32, #tpu.memory_space<vmem>>
    %dma_wait3A_635 = arith.constant 0 : i32
    %dma_wait3A_636 = tpu.memref_slice %arg7[%dma_wait3A_631, %dma_wait3A_635] : memref<16x128xi32, #tpu.memory_space<vmem>> -> memref<1x128xi32, #tpu.memory_space<vmem>>
    %dma_wait3A_637 = tpu.memref_squeeze %dma_wait3A_636 : memref<1x128xi32, #tpu.memory_space<vmem>> -> memref<128xi32, #tpu.memory_space<vmem>>
    %dma_wait3A_638 = arith.constant 0 : i32
    %dma_wait3A_639 = arith.constant 0 : i32
    %dma_wait3A_640 = tpu.memref_slice %arg2[%dma_wait3A_638, %dma_wait3A_639] : memref<32768x16xf32, #tpu.memory_space<hbm>> -> memref<32768x16xf32, #tpu.memory_space<hbm>>
    tpu.wait_indirect_dma semaphore(%arg12 : memref<!tpu.dma_semaphore, #tpu.memory_space<semaphore_mem>>) src(%dma_wait3A_640 : memref<32768x16xf32, #tpu.memory_space<hbm>>) dst(%dma_wait3A_634 : memref<128x16xf32, #tpu.memory_space<vmem>>)
    %dma_wait3A_641 = arith.constant 14 : i32
    %dma_wait3A_642 = arith.constant 1792 : i32
    %dma_wait3A_643 = arith.constant 0 : i32
    %dma_wait3A_644 = tpu.memref_slice %arg10[%dma_wait3A_642, %dma_wait3A_643] : memref<2048x16xf32, #tpu.memory_space<vmem>> -> memref<128x16xf32, #tpu.memory_space<vmem>>
    %dma_wait3A_645 = arith.constant 0 : i32
    %dma_wait3A_646 = tpu.memref_slice %arg8[%dma_wait3A_641, %dma_wait3A_645] : memref<16x128xi32, #tpu.memory_space<vmem>> -> memref<1x128xi32, #tpu.memory_space<vmem>>
    %dma_wait3A_647 = tpu.memref_squeeze %dma_wait3A_646 : memref<1x128xi32, #tpu.memory_space<vmem>> -> memref<128xi32, #tpu.memory_space<vmem>>
    %dma_wait3A_648 = arith.constant 0 : i32
    %dma_wait3A_649 = arith.constant 0 : i32
    %dma_wait3A_650 = tpu.memref_slice %arg3[%dma_wait3A_648, %dma_wait3A_649] : memref<2048x16xf32, #tpu.memory_space<hbm>> -> memref<2048x16xf32, #tpu.memory_space<hbm>>
    tpu.wait_indirect_dma semaphore(%arg13 : memref<!tpu.dma_semaphore, #tpu.memory_space<semaphore_mem>>) src(%dma_wait3A_650 : memref<2048x16xf32, #tpu.memory_space<hbm>>) dst(%dma_wait3A_644 : memref<128x16xf32, #tpu.memory_space<vmem>>)
    %dma_wait3A_651 = arith.constant 15 : i32
    %dma_wait3A_652 = arith.constant 1920 : i32
    %dma_wait3A_653 = arith.constant 0 : i32
    %dma_wait3A_654 = tpu.memref_slice %arg9[%dma_wait3A_652, %dma_wait3A_653] : memref<2048x16xf32, #tpu.memory_space<vmem>> -> memref<128x16xf32, #tpu.memory_space<vmem>>
    %dma_wait3A_655 = arith.constant 0 : i32
    %dma_wait3A_656 = tpu.memref_slice %arg7[%dma_wait3A_651, %dma_wait3A_655] : memref<16x128xi32, #tpu.memory_space<vmem>> -> memref<1x128xi32, #tpu.memory_space<vmem>>
    %dma_wait3A_657 = tpu.memref_squeeze %dma_wait3A_656 : memref<1x128xi32, #tpu.memory_space<vmem>> -> memref<128xi32, #tpu.memory_space<vmem>>
    %dma_wait3A_658 = arith.constant 0 : i32
    %dma_wait3A_659 = arith.constant 0 : i32
    %dma_wait3A_660 = tpu.memref_slice %arg2[%dma_wait3A_658, %dma_wait3A_659] : memref<32768x16xf32, #tpu.memory_space<hbm>> -> memref<32768x16xf32, #tpu.memory_space<hbm>>
    tpu.wait_indirect_dma semaphore(%arg12 : memref<!tpu.dma_semaphore, #tpu.memory_space<semaphore_mem>>) src(%dma_wait3A_660 : memref<32768x16xf32, #tpu.memory_space<hbm>>) dst(%dma_wait3A_654 : memref<128x16xf32, #tpu.memory_space<vmem>>)
    %dma_wait3A_661 = arith.constant 15 : i32
    %dma_wait3A_662 = arith.constant 1920 : i32
    %dma_wait3A_663 = arith.constant 0 : i32
    %dma_wait3A_664 = tpu.memref_slice %arg10[%dma_wait3A_662, %dma_wait3A_663] : memref<2048x16xf32, #tpu.memory_space<vmem>> -> memref<128x16xf32, #tpu.memory_space<vmem>>
    %dma_wait3A_665 = arith.constant 0 : i32
    %dma_wait3A_666 = tpu.memref_slice %arg8[%dma_wait3A_661, %dma_wait3A_665] : memref<16x128xi32, #tpu.memory_space<vmem>> -> memref<1x128xi32, #tpu.memory_space<vmem>>
    %dma_wait3A_667 = tpu.memref_squeeze %dma_wait3A_666 : memref<1x128xi32, #tpu.memory_space<vmem>> -> memref<128xi32, #tpu.memory_space<vmem>>
    %dma_wait3A_668 = arith.constant 0 : i32
    %dma_wait3A_669 = arith.constant 0 : i32
    %dma_wait3A_670 = tpu.memref_slice %arg3[%dma_wait3A_668, %dma_wait3A_669] : memref<2048x16xf32, #tpu.memory_space<hbm>> -> memref<2048x16xf32, #tpu.memory_space<hbm>>
    tpu.wait_indirect_dma semaphore(%arg13 : memref<!tpu.dma_semaphore, #tpu.memory_space<semaphore_mem>>) src(%dma_wait3A_670 : memref<2048x16xf32, #tpu.memory_space<hbm>>) dst(%dma_wait3A_664 : memref<128x16xf32, #tpu.memory_space<vmem>>)
    %scan3A = arith.constant 0 : i32
    %scan3A_671 = arith.constant 0 : i32
    %scan3A_672 = arith.constant 2048 : i32
    %scan3A_673 = arith.addi %scan3A_671, %scan3A_672 : i32
    %scan3A_674 = arith.constant 1 : i32
    %scan3A_675 = scf.for %scan3A_679 = %scan3A_671 to %scan3A_673 step %scan3A_674 iter_args(%scan3A_680 = %scan3A) -> (i32)  : i32 {
      %get3A = arith.index_cast %scan3A_679 : i32 to index
      %get3A_681 = arith.constant 0 : index
      %get3A_682 = tpu.vector_load %arg9[%get3A, %get3A_681] {strides = array<i32>} : memref<2048x16xf32, #tpu.memory_space<vmem>>, vector<1x16xf32>,
      %get3A_683 = vector.shape_cast %get3A_682 : vector<1x16xf32> to vector<16xf32>
      %get3A_684 = arith.index_cast %scan3A_679 : i32 to index
      %get3A_685 = arith.constant 0 : index
      %get3A_686 = tpu.vector_load %arg10[%get3A_684, %get3A_685] {strides = array<i32>} : memref<2048x16xf32, #tpu.memory_space<vmem>>, vector<1x16xf32>,
      %get3A_687 = vector.shape_cast %get3A_686 : vector<1x16xf32> to vector<16xf32>
      %add3A_688 = arith.addf %get3A_683, %get3A_687 : vector<16xf32>
      %swap3A = arith.index_cast %scan3A_679 : i32 to index
      %swap3A_689 = arith.constant 0 : index
      %swap3A_690 = tpu.vector_load %arg9[%swap3A, %swap3A_689] {strides = array<i32>} : memref<2048x16xf32, #tpu.memory_space<vmem>>, vector<1x16xf32>,
      %swap3A_691 = vector.shape_cast %swap3A_690 : vector<1x16xf32> to vector<16xf32>
      %swap3A_692 = vector.shape_cast %add3A_688 : vector<16xf32> to vector<1x16xf32>
      tpu.vector_store %arg9[%swap3A, %swap3A_689], %swap3A_692 {strides = array<i32>} : memref<2048x16xf32, #tpu.memory_space<vmem>>, vector<1x16xf32>,
      %scan3A_693 = arith.constant 0 : i32
      scf.yield %scan3A_693 : i32
    }
    %scan3A_676 = arith.constant 2048 : i32
    %mul3A_677 = arith.constant 2048 : i32
    %mul3A_678 = arith.muli %add3A, %mul3A_677 : i32
    "tpu.region"() ({
      %run_scoped3A = tpu.sem_alloc : memref<!tpu.dma_semaphore, #tpu.memory_space<semaphore_mem>>
      %dma_start3A_679 = arith.constant 0 : i32
      %dma_start3A_680 = tpu.memref_slice %arg6[%mul3A_678, %dma_start3A_679] : memref<65536x16xf32, #tpu.memory_space<hbm>> -> memref<2048x16xf32, #tpu.memory_space<hbm>>
      %dma_start3A_681 = arith.constant 0 : i32
      %dma_start3A_682 = tpu.memref_slice %arg6[%mul3A_678, %dma_start3A_681] : memref<65536x16xf32, #tpu.memory_space<hbm>> -> memref<2048x16xf32, #tpu.memory_space<hbm>>
      tpu.enqueue_dma source(%arg9 : memref<2048x16xf32, #tpu.memory_space<vmem>>) target(%dma_start3A_682 : memref<2048x16xf32, #tpu.memory_space<hbm>>) target_semaphore(%run_scoped3A : memref<!tpu.dma_semaphore, #tpu.memory_space<semaphore_mem>>)
      %dma_wait3A_683 = arith.constant 0 : i32
      %dma_wait3A_684 = tpu.memref_slice %arg6[%mul3A_678, %dma_wait3A_683] : memref<65536x16xf32, #tpu.memory_space<hbm>> -> memref<2048x16xf32, #tpu.memory_space<hbm>>
      %dma_wait3A_685 = arith.constant 0 : i32
      %dma_wait3A_686 = tpu.memref_slice %arg6[%mul3A_678, %dma_wait3A_685] : memref<65536x16xf32, #tpu.memory_space<hbm>> -> memref<2048x16xf32, #tpu.memory_space<hbm>>
      tpu.wait_dma2 semaphore(%run_scoped3A : memref<!tpu.dma_semaphore, #tpu.memory_space<semaphore_mem>>) src(%arg9 : memref<2048x16xf32, #tpu.memory_space<vmem>>) dst(%dma_wait3A_686 : memref<2048x16xf32, #tpu.memory_space<hbm>>)
      tpu.yield
    }) : () -> ()
    return
  }
}

module attributes {stable_mosaic.version = 14 : i64} {
  func.func @_fps_kernel(%arg0: memref<4x8192xf32, #tpu.memory_space<vmem>>, %arg1: memref<4x8192xf32, #tpu.memory_space<vmem>>, %arg2: memref<4x8192xf32, #tpu.memory_space<vmem>>, %arg3: memref<4x512xf32, #tpu.memory_space<vmem>>, %arg4: memref<4x512xf32, #tpu.memory_space<vmem>>, %arg5: memref<4x512xf32, #tpu.memory_space<vmem>>) attributes {dimension_semantics = [], scalar_prefetch = 0 : i64, scratch_operands = 0 : i64, tpu.core_type = #tpu.core_type<tc>} {
    %get3A = arith.constant 0 : index
    %get3A_0 = arith.constant 0 : index
    %get3A_1 = vector.load %arg0[%get3A, %get3A_0] : memref<4x8192xf32, #tpu.memory_space<vmem>>, vector<4x8192xf32>
    %get3A_2 = arith.constant 0 : index
    %get3A_3 = arith.constant 0 : index
    %get3A_4 = vector.load %arg1[%get3A_2, %get3A_3] : memref<4x8192xf32, #tpu.memory_space<vmem>>, vector<4x8192xf32>
    %get3A_5 = arith.constant 0 : index
    %get3A_6 = arith.constant 0 : index
    %get3A_7 = vector.load %arg2[%get3A_5, %get3A_6] : memref<4x8192xf32, #tpu.memory_space<vmem>>, vector<4x8192xf32>
    %slice3A = vector.extract_strided_slice %get3A_1 {offsets = [0, 0], sizes = [4, 1], strides = [1, 1]} : vector<4x8192xf32> to vector<4x1xf32>
    %slice3A_8 = vector.extract_strided_slice %get3A_4 {offsets = [0, 0], sizes = [4, 1], strides = [1, 1]} : vector<4x8192xf32> to vector<4x1xf32>
    %slice3A_9 = vector.extract_strided_slice %get3A_7 {offsets = [0, 0], sizes = [4, 1], strides = [1, 1]} : vector<4x8192xf32> to vector<4x1xf32>
    %sub3A = vector.broadcast %slice3A : vector<4x1xf32> to vector<4x8192xf32>
    %sub3A_10 = arith.subf %get3A_1, %sub3A : vector<4x8192xf32>
    %sub3A_11 = vector.broadcast %slice3A_8 : vector<4x1xf32> to vector<4x8192xf32>
    %sub3A_12 = arith.subf %get3A_4, %sub3A_11 : vector<4x8192xf32>
    %sub3A_13 = vector.broadcast %slice3A_9 : vector<4x1xf32> to vector<4x8192xf32>
    %sub3A_14 = arith.subf %get3A_7, %sub3A_13 : vector<4x8192xf32>
    %mul3A = arith.mulf %sub3A_10, %sub3A_10 : vector<4x8192xf32>
    %mul3A_15 = arith.mulf %sub3A_12, %sub3A_12 : vector<4x8192xf32>
    %add3A = arith.addf %mul3A, %mul3A_15 : vector<4x8192xf32>
    %mul3A_16 = arith.mulf %sub3A_14, %sub3A_14 : vector<4x8192xf32>
    %add3A_17 = arith.addf %add3A, %mul3A_16 : vector<4x8192xf32>
    %iota3A = tpu.iota {dimensions = array<i32: 1>} : vector<4x8192xi32>
    %iota3A_18 = tpu.iota {dimensions = array<i32: 1>} : vector<4x512xi32>
    %eq3A = arith.constant 0 : i32
    %eq3A_19 = vector.broadcast %eq3A : i32 to vector<4x512xi32>
    %eq3A_20 = arith.cmpi eq, %iota3A_18, %eq3A_19 : vector<4x512xi32>
    %jit3A = arith.constant 0.000000e+00 : f32
    %broadcast_in_dim3A = vector.shape_cast %slice3A : vector<4x1xf32> to vector<4x1xf32>
    %broadcast_in_dim3A_21 = vector.broadcast %broadcast_in_dim3A : vector<4x1xf32> to vector<4x512xf32>
    %broadcast_in_dim3A_22 = vector.broadcast %jit3A : f32 to vector<4x512xf32>
    %select_n3A = arith.select %eq3A_20, %broadcast_in_dim3A_21, %broadcast_in_dim3A_22 : vector<4x512xi1>, vector<4x512xf32>
    %eq3A_23 = arith.constant 0 : i32
    %eq3A_24 = vector.broadcast %eq3A_23 : i32 to vector<4x512xi32>
    %eq3A_25 = arith.cmpi eq, %iota3A_18, %eq3A_24 : vector<4x512xi32>
    %jit3A_26 = arith.constant 0.000000e+00 : f32
    %broadcast_in_dim3A_27 = vector.shape_cast %slice3A_8 : vector<4x1xf32> to vector<4x1xf32>
    %broadcast_in_dim3A_28 = vector.broadcast %broadcast_in_dim3A_27 : vector<4x1xf32> to vector<4x512xf32>
    %broadcast_in_dim3A_29 = vector.broadcast %jit3A_26 : f32 to vector<4x512xf32>
    %select_n3A_30 = arith.select %eq3A_25, %broadcast_in_dim3A_28, %broadcast_in_dim3A_29 : vector<4x512xi1>, vector<4x512xf32>
    %eq3A_31 = arith.constant 0 : i32
    %eq3A_32 = vector.broadcast %eq3A_31 : i32 to vector<4x512xi32>
    %eq3A_33 = arith.cmpi eq, %iota3A_18, %eq3A_32 : vector<4x512xi32>
    %jit3A_34 = arith.constant 0.000000e+00 : f32
    %broadcast_in_dim3A_35 = vector.shape_cast %slice3A_9 : vector<4x1xf32> to vector<4x1xf32>
    %broadcast_in_dim3A_36 = vector.broadcast %broadcast_in_dim3A_35 : vector<4x1xf32> to vector<4x512xf32>
    %broadcast_in_dim3A_37 = vector.broadcast %jit3A_34 : f32 to vector<4x512xf32>
    %select_n3A_38 = arith.select %eq3A_33, %broadcast_in_dim3A_36, %broadcast_in_dim3A_37 : vector<4x512xi1>, vector<4x512xf32>
    %scan3A = arith.constant 1 : i32
    %scan3A_39 = arith.constant 511 : i32
    %scan3A_40 = arith.addi %scan3A, %scan3A_39 : i32
    %scan3A_41 = arith.constant 1 : i32
    %scan3A_42:4 = scf.for %scan3A_52 = %scan3A to %scan3A_40 step %scan3A_41 iter_args(%scan3A_53 = %add3A_17, %scan3A_54 = %select_n3A, %scan3A_55 = %select_n3A_30, %scan3A_56 = %select_n3A_38) -> (vector<4x8192xf32>, vector<4x512xf32>, vector<4x512xf32>, vector<4x512xf32>)  : i32 {
      %reduce_max3A = arith.constant dense<0xFF800000> : vector<4xf32>
      %reduce_max3A_57 = vector.multi_reduction <maximumf>, %scan3A_53, %reduce_max3A [1] : vector<4x8192xf32> to vector<4xf32>
      %broadcast_in_dim3A_58 = vector.shape_cast %reduce_max3A_57 : vector<4xf32> to vector<4x1xf32>
      %eq3A_59 = vector.broadcast %broadcast_in_dim3A_58 : vector<4x1xf32> to vector<4x8192xf32>
      %eq3A_60 = arith.cmpf oeq, %scan3A_53, %eq3A_59 : vector<4x8192xf32>
      %jit3A_61 = arith.constant 8192 : i32
      %broadcast_in_dim3A_62 = vector.broadcast %jit3A_61 : i32 to vector<4x8192xi32>
      %select_n3A_63 = arith.select %eq3A_60, %iota3A, %broadcast_in_dim3A_62 : vector<4x8192xi1>, vector<4x8192xi32>
      %reduce_min3A = arith.constant dense<2147483647> : vector<4xi32>
      %reduce_min3A_64 = vector.multi_reduction <minsi>, %select_n3A_63, %reduce_min3A [1] : vector<4x8192xi32> to vector<4xi32>
      %broadcast_in_dim3A_65 = vector.shape_cast %reduce_min3A_64 : vector<4xi32> to vector<4x1xi32>
      %eq3A_66 = vector.broadcast %broadcast_in_dim3A_65 : vector<4x1xi32> to vector<4x8192xi32>
      %eq3A_67 = arith.cmpi eq, %iota3A, %eq3A_66 : vector<4x8192xi32>
      %jit3A_68 = arith.constant 0.000000e+00 : f32
      %broadcast_in_dim3A_69 = vector.broadcast %jit3A_68 : f32 to vector<4x8192xf32>
      %select_n3A_70 = arith.select %eq3A_67, %get3A_1, %broadcast_in_dim3A_69 : vector<4x8192xi1>, vector<4x8192xf32>
      %reduce_sum3A = arith.constant dense<0.000000e+00> : vector<4xf32>
      %reduce_sum3A_71 = vector.multi_reduction <add>, %select_n3A_70, %reduce_sum3A [1] : vector<4x8192xf32> to vector<4xf32>
      %broadcast_in_dim3A_72 = vector.shape_cast %reduce_sum3A_71 : vector<4xf32> to vector<4x1xf32>
      %jit3A_73 = arith.constant 0.000000e+00 : f32
      %broadcast_in_dim3A_74 = vector.broadcast %jit3A_73 : f32 to vector<4x8192xf32>
      %select_n3A_75 = arith.select %eq3A_67, %get3A_4, %broadcast_in_dim3A_74 : vector<4x8192xi1>, vector<4x8192xf32>
      %reduce_sum3A_76 = arith.constant dense<0.000000e+00> : vector<4xf32>
      %reduce_sum3A_77 = vector.multi_reduction <add>, %select_n3A_75, %reduce_sum3A_76 [1] : vector<4x8192xf32> to vector<4xf32>
      %broadcast_in_dim3A_78 = vector.shape_cast %reduce_sum3A_77 : vector<4xf32> to vector<4x1xf32>
      %jit3A_79 = arith.constant 0.000000e+00 : f32
      %broadcast_in_dim3A_80 = vector.broadcast %jit3A_79 : f32 to vector<4x8192xf32>
      %select_n3A_81 = arith.select %eq3A_67, %get3A_7, %broadcast_in_dim3A_80 : vector<4x8192xi1>, vector<4x8192xf32>
      %reduce_sum3A_82 = arith.constant dense<0.000000e+00> : vector<4xf32>
      %reduce_sum3A_83 = vector.multi_reduction <add>, %select_n3A_81, %reduce_sum3A_82 [1] : vector<4x8192xf32> to vector<4xf32>
      %broadcast_in_dim3A_84 = vector.shape_cast %reduce_sum3A_83 : vector<4xf32> to vector<4x1xf32>
      %eq3A_85 = vector.broadcast %scan3A_52 : i32 to vector<4x512xi32>
      %eq3A_86 = arith.cmpi eq, %iota3A_18, %eq3A_85 : vector<4x512xi32>
      %broadcast_in_dim3A_87 = vector.shape_cast %broadcast_in_dim3A_72 : vector<4x1xf32> to vector<4x1xf32>
      %broadcast_in_dim3A_88 = vector.broadcast %broadcast_in_dim3A_87 : vector<4x1xf32> to vector<4x512xf32>
      %select_n3A_89 = arith.select %eq3A_86, %broadcast_in_dim3A_88, %scan3A_54 : vector<4x512xi1>, vector<4x512xf32>
      %broadcast_in_dim3A_90 = vector.shape_cast %broadcast_in_dim3A_78 : vector<4x1xf32> to vector<4x1xf32>
      %broadcast_in_dim3A_91 = vector.broadcast %broadcast_in_dim3A_90 : vector<4x1xf32> to vector<4x512xf32>
      %select_n3A_92 = arith.select %eq3A_86, %broadcast_in_dim3A_91, %scan3A_55 : vector<4x512xi1>, vector<4x512xf32>
      %broadcast_in_dim3A_93 = vector.shape_cast %broadcast_in_dim3A_84 : vector<4x1xf32> to vector<4x1xf32>
      %broadcast_in_dim3A_94 = vector.broadcast %broadcast_in_dim3A_93 : vector<4x1xf32> to vector<4x512xf32>
      %select_n3A_95 = arith.select %eq3A_86, %broadcast_in_dim3A_94, %scan3A_56 : vector<4x512xi1>, vector<4x512xf32>
      %sub3A_96 = vector.broadcast %broadcast_in_dim3A_72 : vector<4x1xf32> to vector<4x8192xf32>
      %sub3A_97 = arith.subf %get3A_1, %sub3A_96 : vector<4x8192xf32>
      %sub3A_98 = vector.broadcast %broadcast_in_dim3A_78 : vector<4x1xf32> to vector<4x8192xf32>
      %sub3A_99 = arith.subf %get3A_4, %sub3A_98 : vector<4x8192xf32>
      %sub3A_100 = vector.broadcast %broadcast_in_dim3A_84 : vector<4x1xf32> to vector<4x8192xf32>
      %sub3A_101 = arith.subf %get3A_7, %sub3A_100 : vector<4x8192xf32>
      %mul3A_102 = arith.mulf %sub3A_97, %sub3A_97 : vector<4x8192xf32>
      %mul3A_103 = arith.mulf %sub3A_99, %sub3A_99 : vector<4x8192xf32>
      %add3A_104 = arith.addf %mul3A_102, %mul3A_103 : vector<4x8192xf32>
      %mul3A_105 = arith.mulf %sub3A_101, %sub3A_101 : vector<4x8192xf32>
      %add3A_106 = arith.addf %add3A_104, %mul3A_105 : vector<4x8192xf32>
      %min3A = arith.minimumf %scan3A_53, %add3A_106 : vector<4x8192xf32>
      scf.yield %min3A, %select_n3A_89, %select_n3A_92, %select_n3A_95 : vector<4x8192xf32>, vector<4x512xf32>, vector<4x512xf32>, vector<4x512xf32>
    }
    %scan3A_43 = arith.constant 511 : i32
    %swap3A = arith.constant 0 : index
    %swap3A_44 = arith.constant 0 : index
    %swap3A_45 = vector.load %arg3[%swap3A, %swap3A_44] : memref<4x512xf32, #tpu.memory_space<vmem>>, vector<4x512xf32>
    tpu.vector_store %arg3[%swap3A, %swap3A_44], %scan3A_42#1 {strides = array<i32>} : memref<4x512xf32, #tpu.memory_space<vmem>>, vector<4x512xf32>,
    %swap3A_46 = arith.constant 0 : index
    %swap3A_47 = arith.constant 0 : index
    %swap3A_48 = vector.load %arg4[%swap3A_46, %swap3A_47] : memref<4x512xf32, #tpu.memory_space<vmem>>, vector<4x512xf32>
    tpu.vector_store %arg4[%swap3A_46, %swap3A_47], %scan3A_42#2 {strides = array<i32>} : memref<4x512xf32, #tpu.memory_space<vmem>>, vector<4x512xf32>,
    %swap3A_49 = arith.constant 0 : index
    %swap3A_50 = arith.constant 0 : index
    %swap3A_51 = vector.load %arg5[%swap3A_49, %swap3A_50] : memref<4x512xf32, #tpu.memory_space<vmem>>, vector<4x512xf32>
    tpu.vector_store %arg5[%swap3A_49, %swap3A_50], %scan3A_42#3 {strides = array<i32>} : memref<4x512xf32, #tpu.memory_space<vmem>>, vector<4x512xf32>,
    return
  }
}

module attributes {stable_mosaic.version = 14 : i64} {
  func.func @_knn_kernel(%arg0: i32, %arg1: i32, %arg2: memref<1x128x3xf32, #tpu.memory_space<vmem>>, %arg3: memref<1x3x8192xf32, #tpu.memory_space<vmem>>, %arg4: memref<1x128x32xi32, #tpu.memory_space<vmem>>, %arg5: memref<128x64x128xf32, #tpu.memory_space<vmem>>, %arg6: memref<5x128x128xf32, #tpu.memory_space<vmem>>, %arg7: memref<5x128x128xi32, #tpu.memory_space<vmem>>) attributes {dimension_semantics = [#tpu.dimension_semantics<arbitrary>, #tpu.dimension_semantics<arbitrary>], iteration_bounds = array<i64: 4, 4>, scalar_prefetch = 0 : i64, scratch_operands = 3 : i64, tpu.core_type = #tpu.core_type<tc>, window_params = [{transform_indices = @transform_0, window_bounds = array<i64: 1, 128, 3>}, {transform_indices = @transform_1, window_bounds = array<i64: 1, 3, 8192>}, {transform_indices = @transform_2, window_bounds = array<i64: 1, 128, 32>}]} {
    %get3A = arith.constant 0 : index
    %get3A_0 = arith.constant 0 : index
    %get3A_1 = arith.constant 0 : index
    %get3A_2 = vector.load %arg2[%get3A, %get3A_0, %get3A_1] : memref<1x128x3xf32, #tpu.memory_space<vmem>>, vector<1x128x3xf32>
    %reshape3A = vector.shape_cast %get3A_2 : vector<1x128x3xf32> to vector<128x3xf32>
    %get3A_3 = arith.constant 0 : index
    %get3A_4 = arith.constant 0 : index
    %get3A_5 = arith.constant 0 : index
    %get3A_6 = vector.load %arg3[%get3A_3, %get3A_4, %get3A_5] : memref<1x3x8192xf32, #tpu.memory_space<vmem>>, vector<1x3x8192xf32>
    %reshape3A_7 = vector.shape_cast %get3A_6 : vector<1x3x8192xf32> to vector<3x8192xf32>
    %slice3A = vector.extract_strided_slice %reshape3A {offsets = [0, 0], sizes = [128, 1], strides = [1, 1]} : vector<128x3xf32> to vector<128x1xf32>
    %slice3A_8 = vector.extract_strided_slice %reshape3A {offsets = [0, 1], sizes = [128, 1], strides = [1, 1]} : vector<128x3xf32> to vector<128x1xf32>
    %slice3A_9 = vector.extract_strided_slice %reshape3A {offsets = [0, 2], sizes = [128, 1], strides = [1, 1]} : vector<128x3xf32> to vector<128x1xf32>
    %slice3A_10 = vector.extract_strided_slice %reshape3A_7 {offsets = [0, 0], sizes = [1, 8192], strides = [1, 1]} : vector<3x8192xf32> to vector<1x8192xf32>
    %slice3A_11 = vector.extract_strided_slice %reshape3A_7 {offsets = [1, 0], sizes = [1, 8192], strides = [1, 1]} : vector<3x8192xf32> to vector<1x8192xf32>
    %slice3A_12 = vector.extract_strided_slice %reshape3A_7 {offsets = [2, 0], sizes = [1, 8192], strides = [1, 1]} : vector<3x8192xf32> to vector<1x8192xf32>
    %mul3A = arith.mulf %slice3A, %slice3A : vector<128x1xf32>
    %mul3A_13 = arith.mulf %slice3A_8, %slice3A_8 : vector<128x1xf32>
    %add3A = arith.addf %mul3A, %mul3A_13 : vector<128x1xf32>
    %mul3A_14 = arith.mulf %slice3A_9, %slice3A_9 : vector<128x1xf32>
    %add3A_15 = arith.addf %add3A, %mul3A_14 : vector<128x1xf32>
    %mul3A_16 = arith.mulf %slice3A_10, %slice3A_10 : vector<1x8192xf32>
    %mul3A_17 = arith.mulf %slice3A_11, %slice3A_11 : vector<1x8192xf32>
    %add3A_18 = arith.addf %mul3A_16, %mul3A_17 : vector<1x8192xf32>
    %mul3A_19 = arith.mulf %slice3A_12, %slice3A_12 : vector<1x8192xf32>
    %add3A_20 = arith.addf %add3A_18, %mul3A_19 : vector<1x8192xf32>
    %dot_general3A = arith.constant dense<0.000000e+00> : vector<128x8192xf32>
    %dot_general3A_21 = tpu.matmul %reshape3A, %reshape3A_7, %dot_general3A {dimension_numbers = #tpu.dot_dimension_numbers<[1], [0], [0], [1], [0, 0, 1, 1], [], []>, transpose_lhs_hint = false} : vector<128x3xf32>, vector<3x8192xf32>, vector<128x8192xf32> -> vector<128x8192xf32>
    %add3A_22 = vector.broadcast %add3A_15 : vector<128x1xf32> to vector<128x8192xf32>
    %add3A_23 = vector.broadcast %add3A_20 : vector<1x8192xf32> to vector<128x8192xf32>
    %add3A_24 = arith.addf %add3A_22, %add3A_23 : vector<128x8192xf32>
    %mul3A_25 = arith.constant 2.000000e+00 : f32
    %mul3A_26 = vector.broadcast %mul3A_25 : f32 to vector<128x8192xf32>
    %mul3A_27 = arith.mulf %mul3A_26, %dot_general3A_21 : vector<128x8192xf32>
    %sub3A = arith.subf %add3A_24, %mul3A_27 : vector<128x8192xf32>
    %reshape3A_28 = vector.shape_cast %sub3A : vector<128x8192xf32> to vector<128x64x128xf32>
    %swap3A = arith.constant 0 : index
    %swap3A_29 = arith.constant 0 : index
    %swap3A_30 = arith.constant 0 : index
    %swap3A_31 = vector.load %arg5[%swap3A, %swap3A_29, %swap3A_30] : memref<128x64x128xf32, #tpu.memory_space<vmem>>, vector<128x64x128xf32>
    tpu.vector_store %arg5[%swap3A, %swap3A_29, %swap3A_30], %reshape3A_28 {strides = array<i32>} : memref<128x64x128xf32, #tpu.memory_space<vmem>>, vector<128x64x128xf32>,
    %iota3A = tpu.iota {dimensions = array<i32: 1>} : vector<128x64x128xi32>
    %iota3A_32 = tpu.iota {dimensions = array<i32: 2>} : vector<128x64x128xi32>
    %iota3A_33 = tpu.iota {dimensions = array<i32: 1>} : vector<128x128xi32>
    %iota3A_34 = tpu.iota {dimensions = array<i32: 1>} : vector<128x32xi32>
    %scan3A = arith.constant 0x7F800000 : f32
    %scan3A_35 = arith.constant 0 : i32
    %scan3A_36 = arith.constant 5 : i32
    %scan3A_37 = arith.addi %scan3A_35, %scan3A_36 : i32
    %scan3A_38 = arith.constant 1 : i32
    scf.for %scan3A_132 = %scan3A_35 to %scan3A_37 step %scan3A_38  : i32 {
      %get3A_133 = arith.constant 0 : index
      %get3A_134 = arith.constant 0 : index
      %get3A_135 = arith.constant 0 : index
      %get3A_136 = vector.load %arg5[%get3A_133, %get3A_134, %get3A_135] : memref<128x64x128xf32, #tpu.memory_space<vmem>>, vector<128x64x128xf32>
      %reduce_min3A_137 = arith.constant dense<0x7F800000> : vector<128x128xf32>
      %reduce_min3A_138 = vector.multi_reduction <minimumf>, %get3A_136, %reduce_min3A_137 [1] : vector<128x64x128xf32> to vector<128x128xf32>
      %broadcast_in_dim3A_139 = vector.shape_cast %reduce_min3A_138 : vector<128x128xf32> to vector<128x1x128xf32>
      %eq3A_140 = vector.broadcast %broadcast_in_dim3A_139 : vector<128x1x128xf32> to vector<128x64x128xf32>
      %eq3A_141 = arith.cmpf oeq, %get3A_136, %eq3A_140 : vector<128x64x128xf32>
      %jit3A = arith.constant 64 : i32
      %broadcast_in_dim3A_142 = vector.broadcast %jit3A : i32 to vector<128x64x128xi32>
      %select_n3A = arith.select %eq3A_141, %iota3A, %broadcast_in_dim3A_142 : vector<128x64x128xi1>, vector<128x64x128xi32>
      %reduce_min3A_143 = arith.constant dense<2147483647> : vector<128x128xi32>
      %reduce_min3A_144 = vector.multi_reduction <minsi>, %select_n3A, %reduce_min3A_143 [1] : vector<128x64x128xi32> to vector<128x128xi32>
      %broadcast_in_dim3A_145 = vector.shape_cast %reduce_min3A_144 : vector<128x128xi32> to vector<128x1x128xi32>
      %eq3A_146 = vector.broadcast %broadcast_in_dim3A_145 : vector<128x1x128xi32> to vector<128x64x128xi32>
      %eq3A_147 = arith.cmpi eq, %select_n3A, %eq3A_146 : vector<128x64x128xi32>
      %reshape3A_148 = vector.shape_cast %reduce_min3A_138 : vector<128x128xf32> to vector<1x128x128xf32>
      %swap3A_149 = arith.index_cast %scan3A_132 : i32 to index
      %swap3A_150 = arith.constant 0 : index
      %swap3A_151 = arith.constant 0 : index
      %swap3A_152 = vector.load %arg6[%swap3A_149, %swap3A_150, %swap3A_151] : memref<5x128x128xf32, #tpu.memory_space<vmem>>, vector<1x128x128xf32>
      tpu.vector_store %arg6[%swap3A_149, %swap3A_150, %swap3A_151], %reshape3A_148 {strides = array<i32>} : memref<5x128x128xf32, #tpu.memory_space<vmem>>, vector<1x128x128xf32>,
      %mul3A_153 = arith.constant 128 : i32
      %mul3A_154 = vector.broadcast %mul3A_153 : i32 to vector<128x128xi32>
      %mul3A_155 = arith.muli %reduce_min3A_144, %mul3A_154 : vector<128x128xi32>
      %add3A_156 = arith.addi %mul3A_155, %iota3A_33 : vector<128x128xi32>
      %reshape3A_157 = vector.shape_cast %add3A_156 : vector<128x128xi32> to vector<1x128x128xi32>
      %swap3A_158 = arith.index_cast %scan3A_132 : i32 to index
      %swap3A_159 = arith.constant 0 : index
      %swap3A_160 = arith.constant 0 : index
      %swap3A_161 = vector.load %arg7[%swap3A_158, %swap3A_159, %swap3A_160] : memref<5x128x128xi32, #tpu.memory_space<vmem>>, vector<1x128x128xi32>
      tpu.vector_store %arg7[%swap3A_158, %swap3A_159, %swap3A_160], %reshape3A_157 {strides = array<i32>} : memref<5x128x128xi32, #tpu.memory_space<vmem>>, vector<1x128x128xi32>,
      %broadcast_in_dim3A_162 = vector.broadcast %scan3A : f32 to vector<128x64x128xf32>
      %select_n3A_163 = arith.select %eq3A_147, %broadcast_in_dim3A_162, %get3A_136 : vector<128x64x128xi1>, vector<128x64x128xf32>
      %swap3A_164 = arith.constant 0 : index
      %swap3A_165 = arith.constant 0 : index
      %swap3A_166 = arith.constant 0 : index
      %swap3A_167 = vector.load %arg5[%swap3A_164, %swap3A_165, %swap3A_166] : memref<128x64x128xf32, #tpu.memory_space<vmem>>, vector<128x64x128xf32>
      tpu.vector_store %arg5[%swap3A_164, %swap3A_165, %swap3A_166], %select_n3A_163 {strides = array<i32>} : memref<128x64x128xf32, #tpu.memory_space<vmem>>, vector<128x64x128xf32>,
    }
    %scan3A_39 = arith.constant 5 : i32
    %get3A_40 = arith.constant 4 : index
    %get3A_41 = arith.constant 0 : index
    %get3A_42 = arith.constant 0 : index
    %get3A_43 = vector.load %arg6[%get3A_40, %get3A_41, %get3A_42] : memref<5x128x128xf32, #tpu.memory_space<vmem>>, vector<1x128x128xf32>
    %get3A_44 = vector.shape_cast %get3A_43 : vector<1x128x128xf32> to vector<128x128xf32>
    %get3A_45 = arith.constant 4 : index
    %get3A_46 = arith.constant 0 : index
    %get3A_47 = arith.constant 0 : index
    %get3A_48 = vector.load %arg7[%get3A_45, %get3A_46, %get3A_47] : memref<5x128x128xi32, #tpu.memory_space<vmem>>, vector<1x128x128xi32>
    %get3A_49 = vector.shape_cast %get3A_48 : vector<1x128x128xi32> to vector<128x128xi32>
    %get3A_50 = arith.constant 0 : index
    %get3A_51 = arith.constant 0 : index
    %get3A_52 = arith.constant 0 : index
    %get3A_53 = vector.load %arg6[%get3A_50, %get3A_51, %get3A_52] : memref<5x128x128xf32, #tpu.memory_space<vmem>>, vector<1x128x128xf32>
    %get3A_54 = vector.shape_cast %get3A_53 : vector<1x128x128xf32> to vector<128x128xf32>
    %get3A_55 = arith.constant 1 : index
    %get3A_56 = arith.constant 0 : index
    %get3A_57 = arith.constant 0 : index
    %get3A_58 = vector.load %arg6[%get3A_55, %get3A_56, %get3A_57] : memref<5x128x128xf32, #tpu.memory_space<vmem>>, vector<1x128x128xf32>
    %get3A_59 = vector.shape_cast %get3A_58 : vector<1x128x128xf32> to vector<128x128xf32>
    %get3A_60 = arith.constant 2 : index
    %get3A_61 = arith.constant 0 : index
    %get3A_62 = arith.constant 0 : index
    %get3A_63 = vector.load %arg6[%get3A_60, %get3A_61, %get3A_62] : memref<5x128x128xf32, #tpu.memory_space<vmem>>, vector<1x128x128xf32>
    %get3A_64 = vector.shape_cast %get3A_63 : vector<1x128x128xf32> to vector<128x128xf32>
    %get3A_65 = arith.constant 3 : index
    %get3A_66 = arith.constant 0 : index
    %get3A_67 = arith.constant 0 : index
    %get3A_68 = vector.load %arg6[%get3A_65, %get3A_66, %get3A_67] : memref<5x128x128xf32, #tpu.memory_space<vmem>>, vector<1x128x128xf32>
    %get3A_69 = vector.shape_cast %get3A_68 : vector<1x128x128xf32> to vector<128x128xf32>
    %get3A_70 = arith.constant 4 : index
    %get3A_71 = arith.constant 0 : index
    %get3A_72 = arith.constant 0 : index
    %get3A_73 = vector.load %arg6[%get3A_70, %get3A_71, %get3A_72] : memref<5x128x128xf32, #tpu.memory_space<vmem>>, vector<1x128x128xf32>
    %get3A_74 = vector.shape_cast %get3A_73 : vector<1x128x128xf32> to vector<128x128xf32>
    %concatenate3A = tpu.concatenate %get3A_54, %get3A_59, %get3A_64, %get3A_69, %get3A_74 in 1 : vector<128x128xf32>, vector<128x128xf32>, vector<128x128xf32>, vector<128x128xf32>, vector<128x128xf32> -> vector<128x640xf32>
    %get3A_75 = arith.constant 0 : index
    %get3A_76 = arith.constant 0 : index
    %get3A_77 = arith.constant 0 : index
    %get3A_78 = vector.load %arg7[%get3A_75, %get3A_76, %get3A_77] : memref<5x128x128xi32, #tpu.memory_space<vmem>>, vector<1x128x128xi32>
    %get3A_79 = vector.shape_cast %get3A_78 : vector<1x128x128xi32> to vector<128x128xi32>
    %get3A_80 = arith.constant 1 : index
    %get3A_81 = arith.constant 0 : index
    %get3A_82 = arith.constant 0 : index
    %get3A_83 = vector.load %arg7[%get3A_80, %get3A_81, %get3A_82] : memref<5x128x128xi32, #tpu.memory_space<vmem>>, vector<1x128x128xi32>
    %get3A_84 = vector.shape_cast %get3A_83 : vector<1x128x128xi32> to vector<128x128xi32>
    %get3A_85 = arith.constant 2 : index
    %get3A_86 = arith.constant 0 : index
    %get3A_87 = arith.constant 0 : index
    %get3A_88 = vector.load %arg7[%get3A_85, %get3A_86, %get3A_87] : memref<5x128x128xi32, #tpu.memory_space<vmem>>, vector<1x128x128xi32>
    %get3A_89 = vector.shape_cast %get3A_88 : vector<1x128x128xi32> to vector<128x128xi32>
    %get3A_90 = arith.constant 3 : index
    %get3A_91 = arith.constant 0 : index
    %get3A_92 = arith.constant 0 : index
    %get3A_93 = vector.load %arg7[%get3A_90, %get3A_91, %get3A_92] : memref<5x128x128xi32, #tpu.memory_space<vmem>>, vector<1x128x128xi32>
    %get3A_94 = vector.shape_cast %get3A_93 : vector<1x128x128xi32> to vector<128x128xi32>
    %get3A_95 = arith.constant 4 : index
    %get3A_96 = arith.constant 0 : index
    %get3A_97 = arith.constant 0 : index
    %get3A_98 = vector.load %arg7[%get3A_95, %get3A_96, %get3A_97] : memref<5x128x128xi32, #tpu.memory_space<vmem>>, vector<1x128x128xi32>
    %get3A_99 = vector.shape_cast %get3A_98 : vector<1x128x128xi32> to vector<128x128xi32>
    %concatenate3A_100 = tpu.concatenate %get3A_79, %get3A_84, %get3A_89, %get3A_94, %get3A_99 in 1 : vector<128x128xi32>, vector<128x128xi32>, vector<128x128xi32>, vector<128x128xi32>, vector<128x128xi32> -> vector<128x640xi32>
    %broadcast_in_dim3A = arith.constant 0 : i32
    %broadcast_in_dim3A_101 = vector.broadcast %broadcast_in_dim3A : i32 to vector<128x32xi32>
    %broadcast_in_dim3A_102 = arith.constant 0.000000e+00 : f32
    %broadcast_in_dim3A_103 = vector.broadcast %broadcast_in_dim3A_102 : f32 to vector<128x1xf32>
    %broadcast_in_dim3A_104 = arith.constant 0 : i32
    %broadcast_in_dim3A_105 = vector.broadcast %broadcast_in_dim3A_104 : i32 to vector<128x1xi32>
    %scan3A_106 = arith.constant 0x7F800000 : f32
    %scan3A_107 = arith.constant 0 : i32
    %scan3A_108 = arith.constant 32 : i32
    %scan3A_109 = arith.addi %scan3A_107, %scan3A_108 : i32
    %scan3A_110 = arith.constant 1 : i32
    %scan3A_111:4 = scf.for %scan3A_132 = %scan3A_107 to %scan3A_109 step %scan3A_110 iter_args(%scan3A_133 = %concatenate3A, %scan3A_134 = %broadcast_in_dim3A_101, %scan3A_135 = %broadcast_in_dim3A_103, %scan3A_136 = %broadcast_in_dim3A_105) -> (vector<128x640xf32>, vector<128x32xi32>, vector<128x1xf32>, vector<128x1xi32>)  : i32 {
      %reduce_min3A_137 = arith.constant dense<0x7F800000> : vector<128xf32>
      %reduce_min3A_138 = vector.multi_reduction <minimumf>, %scan3A_133, %reduce_min3A_137 [1] : vector<128x640xf32> to vector<128xf32>
      %broadcast_in_dim3A_139 = vector.shape_cast %reduce_min3A_138 : vector<128xf32> to vector<128x1xf32>
      %eq3A_140 = vector.broadcast %broadcast_in_dim3A_139 : vector<128x1xf32> to vector<128x640xf32>
      %eq3A_141 = arith.cmpf oeq, %scan3A_133, %eq3A_140 : vector<128x640xf32>
      %jit3A = arith.constant 1073741824 : i32
      %broadcast_in_dim3A_142 = vector.broadcast %jit3A : i32 to vector<128x640xi32>
      %select_n3A = arith.select %eq3A_141, %concatenate3A_100, %broadcast_in_dim3A_142 : vector<128x640xi1>, vector<128x640xi32>
      %reduce_min3A_143 = arith.constant dense<2147483647> : vector<128xi32>
      %reduce_min3A_144 = vector.multi_reduction <minsi>, %select_n3A, %reduce_min3A_143 [1] : vector<128x640xi32> to vector<128xi32>
      %broadcast_in_dim3A_145 = vector.shape_cast %reduce_min3A_144 : vector<128xi32> to vector<128x1xi32>
      %eq3A_146 = vector.broadcast %broadcast_in_dim3A_145 : vector<128x1xi32> to vector<128x640xi32>
      %eq3A_147 = arith.cmpi eq, %concatenate3A_100, %eq3A_146 : vector<128x640xi32>
      %and3A_148 = arith.andi %eq3A_141, %eq3A_147 : vector<128x640xi1>
      %broadcast_in_dim3A_149 = vector.broadcast %scan3A_106 : f32 to vector<128x640xf32>
      %select_n3A_150 = arith.select %and3A_148, %broadcast_in_dim3A_149, %scan3A_133 : vector<128x640xi1>, vector<128x640xf32>
      %eq3A_151 = vector.broadcast %scan3A_132 : i32 to vector<128x32xi32>
      %eq3A_152 = arith.cmpi eq, %iota3A_34, %eq3A_151 : vector<128x32xi32>
      %broadcast_in_dim3A_153 = vector.shape_cast %broadcast_in_dim3A_145 : vector<128x1xi32> to vector<128x1xi32>
      %broadcast_in_dim3A_154 = vector.broadcast %broadcast_in_dim3A_153 : vector<128x1xi32> to vector<128x32xi32>
      %select_n3A_155 = arith.select %eq3A_152, %broadcast_in_dim3A_154, %scan3A_134 : vector<128x32xi1>, vector<128x32xi32>
      scf.yield %select_n3A_150, %select_n3A_155, %broadcast_in_dim3A_139, %broadcast_in_dim3A_145 : vector<128x640xf32>, vector<128x32xi32>, vector<128x1xf32>, vector<128x1xi32>
    }
    %scan3A_112 = arith.constant 32 : i32
    %gt3A = vector.broadcast %scan3A_111#2 : vector<128x1xf32> to vector<128x128xf32>
    %gt3A_113 = arith.cmpf ogt, %get3A_44, %gt3A : vector<128x128xf32>
    %eq3A = vector.broadcast %scan3A_111#2 : vector<128x1xf32> to vector<128x128xf32>
    %eq3A_114 = arith.cmpf oeq, %get3A_44, %eq3A : vector<128x128xf32>
    %gt3A_115 = vector.broadcast %scan3A_111#3 : vector<128x1xi32> to vector<128x128xi32>
    %gt3A_116 = arith.cmpi sgt, %get3A_49, %gt3A_115 : vector<128x128xi32>
    %and3A = arith.andi %eq3A_114, %gt3A_116 : vector<128x128xi1>
    %or3A = arith.ori %gt3A_113, %and3A : vector<128x128xi1>
    %convert_element_type3A = arith.extui %or3A : vector<128x128xi1> to vector<128x128xi32>
    %reduce_min3A = vector.shape_cast %convert_element_type3A : vector<128x128xi32> to vector<1x128x128xi32>
    %reduce_min3A_117 = arith.constant dense<2147483647> : vector<1xi32>
    %reduce_min3A_118 = vector.multi_reduction <minsi>, %reduce_min3A, %reduce_min3A_117 [1, 2] : vector<1x128x128xi32> to vector<1xi32>
    %reduce_min3A_119 = vector.shape_cast %reduce_min3A_118 : vector<1xi32> to vector<1x1x1xi32>
    %reduce_min3A_120 = vector.extract %reduce_min3A_119[0, 0, 0] : i32 from vector<1x1x1xi32>
    %eq3A_121 = arith.constant 1 : i32
    %eq3A_122 = arith.cmpi eq, %reduce_min3A_120, %eq3A_121 : i32
    %convert_element_type3A_123 = arith.extui %eq3A_122 : i1 to i32
    %cond3A = arith.constant 0x7F800000 : f32
    %cond3A_124 = arith.constant 0 : i32
    %cond3A_125 = arith.cmpi ne, %convert_element_type3A_123, %cond3A_124 : i32
    %cond3A_126 = scf.if %cond3A_125 -> (vector<128x32xi32>) {
      scf.yield %scan3A_111#1 : vector<128x32xi32>
    } else {
      %dot_general3A_132 = arith.constant dense<0.000000e+00> : vector<128x8192xf32>
      %dot_general3A_133 = tpu.matmul %reshape3A, %reshape3A_7, %dot_general3A_132 {dimension_numbers = #tpu.dot_dimension_numbers<[1], [0], [0], [1], [0, 0, 1, 1], [], []>, transpose_lhs_hint = false} : vector<128x3xf32>, vector<3x8192xf32>, vector<128x8192xf32> -> vector<128x8192xf32>
      %add3A_134 = vector.broadcast %add3A_15 : vector<128x1xf32> to vector<128x8192xf32>
      %add3A_135 = vector.broadcast %add3A_20 : vector<1x8192xf32> to vector<128x8192xf32>
      %add3A_136 = arith.addf %add3A_134, %add3A_135 : vector<128x8192xf32>
      %mul3A_137 = arith.constant 2.000000e+00 : f32
      %mul3A_138 = vector.broadcast %mul3A_137 : f32 to vector<128x8192xf32>
      %mul3A_139 = arith.mulf %mul3A_138, %dot_general3A_133 : vector<128x8192xf32>
      %sub3A_140 = arith.subf %add3A_136, %mul3A_139 : vector<128x8192xf32>
      %reshape3A_141 = vector.shape_cast %sub3A_140 : vector<128x8192xf32> to vector<128x64x128xf32>
      %mul3A_142 = arith.constant 128 : i32
      %mul3A_143 = vector.broadcast %mul3A_142 : i32 to vector<128x64x128xi32>
      %mul3A_144 = arith.muli %iota3A, %mul3A_143 : vector<128x64x128xi32>
      %add3A_145 = arith.addi %mul3A_144, %iota3A_32 : vector<128x64x128xi32>
      %scan3A_146 = arith.constant 0 : i32
      %scan3A_147 = arith.constant 32 : i32
      %scan3A_148 = arith.addi %scan3A_146, %scan3A_147 : i32
      %scan3A_149 = arith.constant 1 : i32
      %scan3A_150:2 = scf.for %scan3A_152 = %scan3A_146 to %scan3A_148 step %scan3A_149 iter_args(%scan3A_153 = %reshape3A_141, %scan3A_154 = %broadcast_in_dim3A_101) -> (vector<128x64x128xf32>, vector<128x32xi32>)  : i32 {
        %reduce_min3A_155 = arith.constant dense<0x7F800000> : vector<128x128xf32>
        %reduce_min3A_156 = vector.multi_reduction <minimumf>, %scan3A_153, %reduce_min3A_155 [1] : vector<128x64x128xf32> to vector<128x128xf32>
        %reduce_min3A_157 = arith.constant dense<0x7F800000> : vector<128xf32>
        %reduce_min3A_158 = vector.multi_reduction <minimumf>, %reduce_min3A_156, %reduce_min3A_157 [1] : vector<128x128xf32> to vector<128xf32>
        %broadcast_in_dim3A_159 = vector.shape_cast %reduce_min3A_158 : vector<128xf32> to vector<128x1xf32>
        %broadcast_in_dim3A_160 = vector.shape_cast %broadcast_in_dim3A_159 : vector<128x1xf32> to vector<128x1x1xf32>
        %eq3A_161 = vector.broadcast %broadcast_in_dim3A_160 : vector<128x1x1xf32> to vector<128x64x128xf32>
        %eq3A_162 = arith.cmpf oeq, %scan3A_153, %eq3A_161 : vector<128x64x128xf32>
        %jit3A = arith.constant 1073741824 : i32
        %broadcast_in_dim3A_163 = vector.broadcast %jit3A : i32 to vector<128x64x128xi32>
        %select_n3A = arith.select %eq3A_162, %add3A_145, %broadcast_in_dim3A_163 : vector<128x64x128xi1>, vector<128x64x128xi32>
        %reduce_min3A_164 = arith.constant dense<2147483647> : vector<128x128xi32>
        %reduce_min3A_165 = vector.multi_reduction <minsi>, %select_n3A, %reduce_min3A_164 [1] : vector<128x64x128xi32> to vector<128x128xi32>
        %reduce_min3A_166 = arith.constant dense<2147483647> : vector<128xi32>
        %reduce_min3A_167 = vector.multi_reduction <minsi>, %reduce_min3A_165, %reduce_min3A_166 [1] : vector<128x128xi32> to vector<128xi32>
        %broadcast_in_dim3A_168 = vector.shape_cast %reduce_min3A_167 : vector<128xi32> to vector<128x1xi32>
        %broadcast_in_dim3A_169 = vector.shape_cast %broadcast_in_dim3A_168 : vector<128x1xi32> to vector<128x1x1xi32>
        %eq3A_170 = vector.broadcast %broadcast_in_dim3A_169 : vector<128x1x1xi32> to vector<128x64x128xi32>
        %eq3A_171 = arith.cmpi eq, %select_n3A, %eq3A_170 : vector<128x64x128xi32>
        %broadcast_in_dim3A_172 = vector.broadcast %cond3A : f32 to vector<128x64x128xf32>
        %select_n3A_173 = arith.select %eq3A_171, %broadcast_in_dim3A_172, %scan3A_153 : vector<128x64x128xi1>, vector<128x64x128xf32>
        %eq3A_174 = vector.broadcast %scan3A_152 : i32 to vector<128x32xi32>
        %eq3A_175 = arith.cmpi eq, %iota3A_34, %eq3A_174 : vector<128x32xi32>
        %broadcast_in_dim3A_176 = vector.shape_cast %broadcast_in_dim3A_168 : vector<128x1xi32> to vector<128x1xi32>
        %broadcast_in_dim3A_177 = vector.broadcast %broadcast_in_dim3A_176 : vector<128x1xi32> to vector<128x32xi32>
        %select_n3A_178 = arith.select %eq3A_175, %broadcast_in_dim3A_177, %scan3A_154 : vector<128x32xi1>, vector<128x32xi32>
        scf.yield %select_n3A_173, %select_n3A_178 : vector<128x64x128xf32>, vector<128x32xi32>
      }
      %scan3A_151 = arith.constant 32 : i32
      scf.yield %scan3A_150#1 : vector<128x32xi32>
    }
    %reshape3A_127 = vector.shape_cast %cond3A_126 : vector<128x32xi32> to vector<1x128x32xi32>
    %swap3A_128 = arith.constant 0 : index
    %swap3A_129 = arith.constant 0 : index
    %swap3A_130 = arith.constant 0 : index
    %swap3A_131 = vector.load %arg4[%swap3A_128, %swap3A_129, %swap3A_130] : memref<1x128x32xi32, #tpu.memory_space<vmem>>, vector<1x128x32xi32>
    tpu.vector_store %arg4[%swap3A_128, %swap3A_129, %swap3A_130], %reshape3A_127 {strides = array<i32>} : memref<1x128x32xi32, #tpu.memory_space<vmem>>, vector<1x128x32xi32>,
    return
  }
  func.func @transform_0(%arg0: i32, %arg1: i32) -> (i32, i32, i32) {
    %c0_i32 = arith.constant 0 : i32
    %c0_i32_0 = arith.constant 0 : i32
    return %arg0, %arg1, %c0_i32 : i32, i32, i32
  }
  func.func @transform_1(%arg0: i32, %arg1: i32) -> (i32, i32, i32) {
    %c0_i32 = arith.constant 0 : i32
    %c0_i32_0 = arith.constant 0 : i32
    %c0_i32_1 = arith.constant 0 : i32
    return %arg0, %c0_i32, %c0_i32_0 : i32, i32, i32
  }
  func.func @transform_2(%arg0: i32, %arg1: i32) -> (i32, i32, i32) {
    %c0_i32 = arith.constant 0 : i32
    %c0_i32_0 = arith.constant 0 : i32
    return %arg0, %arg1, %c0_i32 : i32, i32, i32
  }
}

</mosaic_0001>

<sc_bundles>
// kernel: kernel.5.cloned.1.call-start
scs
__scs_entry_jumppad:
0x0: {  	(pc) =	sbr.rel $0x88, $3  }
0x1: {  	(tag) =	ssettag $0x0;
	lr =	simm.s32 $0x1  }
0x2: {  	[smem:$0x3FA0] =	sst lr;
	_ =	strace $0xD0000000  }
0x3: {  	_ = 	snop  }
0x4: {  	_ = 	snop  }
0x5: {  	_ = 	snop  }
0x6: {  	_ = 	snop  }
0x7: {  	_ = 	snop  }
__scs_overlays_trampoline_lowered:
0x8: {  	[smem:$0x3FAF] =	sst s0  }
0x9: {  	[smem:$0x3FB0] =	sst s1  }
0xa: {  	[smem:$0x3FB1] =	sst s2  }
0xb: {  	[smem:$0x3FB2] =	sst s3  }
0xc: {  	[smem:$0x3FB3] =	sst s4  }
0xd: {  	[smem:$0x3FB4] =	sst s5  }
0xe: {  	[smem:$0x3FB5] =	sst s6  }
0xf: {  	[smem:$0x3FB6] =	sst s7  }
0x10: {  	[smem:$0x3FB7] =	sst s8  }
0x11: {  	[smem:$0x3FB8] =	sst s9;
	s0 =	simm.s32 @!p0 $0x0  }
0x12: {  	s1 =	sld [smem:$0x3F9E];
	s0 =	simm.s32 @p0 $0x1  }
0x13: {  	[smem:$0x3FB9] =	sst s0;
	s0 =	simm.s32 @!p1 $0x0  }
0x14: {  	s2 =	sld [smem:$0x3F9D];
	s0 =	simm.s32 @p1 $0x1  }
0x15: {  	[smem:$0x3FBA] =	sst s0;
	s0 =	simm.s32 @!p2 $0x0  }
0x16: {  	s3 =	sld [smem:$0x3FDB];
	s0 =	simm.s32 @p2 $0x1  }
0x17: {  	s4 =	simm.s32 $0x1BF5;
	[smem:$0x3FBC] =	sst s0  }
0x18: {  	s0 =	sld [smem:$0x3F9F];
	_ =	swait.ge [sflag:s4], $0x0  }
0x19: {  	s7 =	sld [smem:$0x3FA0]  }
0x1a: {  	s8 =	sadd.s32 $0xFFFFE003, lr  }
0x1b: {  	s9 =	sadd.s32 $0xFFFFFEF7, lr;
	s5 =	simm.s32 $0xFFFFFFFF;
	p2 =	slt.u32 s8, $0xFFFFF086  }
0x1c: {  	p1 =	slt.u32 s9, $0xF7A;
	s5 =	simm.s32 @!p2 $0x0  }
0x1d: {  	s5 =	simm.s32 @p1 $0x1;
	p0 =	seq.s32 s7, s2  }
0x1e: {  	s7 =	smul.u32 @!p0 $0xF7A, s2;
	p2 =	seq.s32 @!p0 s5, $0x0  }
0x1f: {  	s9 =	smul.u32 $0xF7A, s1;
	s8 =	simm.s32 @!p0 $0x1BF5;
	p2 =	por !p2, p0  }
0x20: {  	[sflag:s8] =	ssyncset.s32 @!p0 $0xFFFFF086;
	s6 =	sadd.s32 @!p0 s3, s7;
	s7 =	simm.s32 @!p0 $0x108  }
0x21: {  	s3 =	sadd.s32 s3, s9;
	s6 =	sadd.s32 @!p0 $0x88, s6;
	s7 =	simm.s32 @p2 $0x1082  }
0x22: {  	[simem:s7], [sflag:s8] =	dma.local @!p0 [hbm:s6], $0xF7A  }
0x23: {  	s9 =	sor.u32 $0xD0000000, s2;
	s6 =	simm.s32 $0x108;
	_ =	swait.ge @!p0 [sflag:s8], $0x0  }
0x24: {  	s3 =	sadd.s32 $0x88, s3;
	s6 =	simm.s32 @!p1 $0x1082;
	[sflag:s4] =	ssyncset.s32 $0xFFFFF086  }
0x25: {  	[simem:s6], [sflag:s4] =	dma.local [hbm:s3], $0xF7A  }
0x26: {  	[smem:$0x3FA0] =	sst s1;
	(tag) =	ssettag s2;
	_ =	strace s9  }
0x27: {  	s1 =	sld [smem:$0x3FB0]  }
0x28: {  	s2 =	sld [smem:$0x3FB1]  }
0x29: {  	s4 =	sld [smem:$0x3FB3]  }
0x2a: {  	p0 =	seq.s32 s5, $0x0;
	s5 =	sld [smem:$0x3FB4]  }
0x2b: {  	s6 =	sld [smem:$0x3FB5]  }
0x2c: {  	s7 =	sld [smem:$0x3FB6]  }
0x2d: {  	s3 =	simm.s32 $0x108;
	s8 =	sld [smem:$0x3FB7]  }
0x2e: {  	s3 =	simm.s32 @!p0 $0x1082;
	s9 =	sld [smem:$0x3FB8]  }
0x2f: {  	lr =	sadd.s32 s0, s3;
	s0 =	sld [smem:$0x3FAF]  }
0x30: {  	s3 =	sld [smem:$0x3FB2]  }
0x31: {  	[smem:$0x3FBB] =	sst s10  }
0x32: {  	s10 =	sld [smem:$0x3FB9];
	_ =	sdelay $0x3  }
0x33: {  	p0 =	seq.s32 s10, $0x1;
	s10 =	sld [smem:$0x3FBB];
	_ =	sdelay $0x3  }
0x34: {  	[smem:$0x3FBB] =	sst s10  }
0x35: {  	s10 =	sld [smem:$0x3FBA];
	_ =	sdelay $0x3  }
0x36: {  	p1 =	seq.s32 s10, $0x1;
	s10 =	sld [smem:$0x3FBB];
	_ =	sdelay $0x3  }
0x37: {  	[smem:$0x3FBB] =	sst s10  }
0x38: {  	s10 =	sld [smem:$0x3FBC]  }
0x39: {  	_ = 	snop;
	(pc) =	sbr.ind lr, $3  }
0x3a: {  	_ = 	snop  }
0x3b: {  	_ = 	snop  }
0x3c: {  	p2 =	seq.s32 s10, $0x1;
	s10 =	sld [smem:$0x3FBB]  }
0x3d: {  	_ =	shalt  }
0x3e: {  	_ =	shalt  }
0x3f: {  	_ =	shalt  }
0x40: {  	_ =	shalt  }
0x41: {  	_ =	shalt  }
0x42: {  	_ =	shalt  }
0x43: {  	_ =	shalt  }
0x44: {  	_ =	shalt  }
0x45: {  	_ =	shalt  }
0x46: {  	_ =	shalt  }
0x47: {  	_ =	shalt  }
0x48: {  	_ =	shalt  }
0x49: {  	_ =	shalt  }
0x4a: {  	_ =	shalt  }
0x4b: {  	_ =	shalt  }
0x4c: {  	_ =	shalt  }
0x4d: {  	_ =	shalt  }
0x4e: {  	_ =	shalt  }
0x4f: {  	_ =	shalt  }
0x50: {  	_ =	shalt  }
0x51: {  	_ =	shalt  }
0x52: {  	_ =	shalt  }
0x53: {  	_ =	shalt  }
0x54: {  	_ =	shalt  }
0x55: {  	_ =	shalt  }
0x56: {  	_ =	shalt  }
0x57: {  	_ =	shalt  }
0x58: {  	_ =	shalt  }
0x59: {  	_ =	shalt  }
0x5a: {  	_ =	shalt  }
0x5b: {  	_ =	shalt  }
0x5c: {  	_ =	shalt  }
0x5d: {  	_ =	shalt  }
0x5e: {  	_ =	shalt  }
0x5f: {  	_ =	shalt  }
0x60: {  	_ =	shalt  }
0x61: {  	_ =	shalt  }
0x62: {  	_ =	shalt  }
0x63: {  	_ =	shalt  }
0x64: {  	_ =	shalt  }
0x65: {  	_ =	shalt  }
0x66: {  	_ =	shalt  }
0x67: {  	_ =	shalt  }
0x68: {  	_ =	shalt  }
0x69: {  	_ =	shalt  }
0x6a: {  	_ =	shalt  }
0x6b: {  	_ =	shalt  }
0x6c: {  	_ =	shalt  }
0x6d: {  	_ =	shalt  }
0x6e: {  	_ =	shalt  }
0x6f: {  	_ =	shalt  }
0x70: {  	_ =	shalt  }
0x71: {  	_ =	shalt  }
0x72: {  	_ =	shalt  }
0x73: {  	_ =	shalt  }
0x74: {  	_ =	shalt  }
0x75: {  	_ =	shalt  }
0x76: {  	_ =	shalt  }
0x77: {  	_ =	shalt  }
0x78: {  	_ =	shalt  }
0x79: {  	_ =	shalt  }
0x7a: {  	_ =	shalt  }
0x7b: {  	_ =	shalt  }
0x7c: {  	_ =	shalt  }
0x7d: {  	_ =	shalt  }
0x7e: {  	_ =	shalt  }
0x7f: {  	_ =	shalt  }
0x80: {  	_ =	shalt  }
0x81: {  	_ =	shalt  }
0x82: {  	_ =	shalt  }
0x83: {  	_ =	shalt  }
0x84: {  	_ =	shalt  }
0x85: {  	_ =	shalt  }
0x86: {  	_ =	shalt  }
0x87: {  	_ =	shalt  }
.Lfunc_end0:
.L_simem_size_0:
called_computation_lowered:
.L_overlay_start_0:
0x88: {  	s2 =	sld [smem:$0x3FD9]  }
0x89: {  	s3 =	sld [smem:$0x3FFE];
	_ =	sdelay $0x1  }
0x8a: {  	s1 =	srdreg.scid  }
0x8b: {  	s0 =	sand.u32 $0x1, s1  }
0x8c: {  	s14 =	sshll.u32 s0, $0xA;
	s2 =	sadd.s32 s3, s2  }
0x8d: {  	s2 =	sadd.s32 s2, s14  }
0x8e: {  	[smem:$0x3FC7] =	sst s2  }
0x8f: {  	_ = 	snop  }
0x90: {  	s2 =	sld [smem:$0x3FD0];
	_ =	sdelay $0x2  }
0x91: {  	s15 =	simm.s32 $0xA;
	s4 =	simm.s32 $0x10  }
0x92: {  	[smem:s4], [sflag:s15] =	dma.local [hbm:s2], $0x1  }
0x93: {  	_ =	swait.eq [sflag:s15], $0x1  }
0x94: {  	[sflag:s15] =	ssyncset.done $0x0  }
0x95: {  	[sflag:s15] =	ssyncadd.s32 $0xFFFFFFFF  }
0x96: {  	s16 =	sld [smem:$0x10];
	(tm) =	ssettm $0x1  }
0x97: {  	s17 =	sld [smem:$0x3FFB];
	_ =	sdelay $0x3  }
0x98: {  	_ =	strace s17  }
0x99: {  	s3 =	sld [smem:$0x3FFC];
	_ =	sdelay $0x3  }
0x9a: {  	_ =	strace s3  }
0x9b: {  	s3 =	sld [smem:$0x3FFD];
	_ =	sdelay $0x3  }
0x9c: {  	_ =	strace s3  }
0x9d: {  	_ =	strace $0x8FFFFFFF  }
0x9e: {  	s18 =	sld [smem:$0x3FDB];
	_ =	sdelay $0x1  }
0x9f: {  	s19 =	simm.s32 $_scs_section_size  }
0xa0: {  	s5 =	simm.s32 $_size__tile_overlayer_lowered;
	s6 =	simm.s32 $_tile_overlayer_lowered  }
0xa1: {  	s22 =	simm.s32 $0x1BFF;
	s21 =	sshll.u32 s6, $0x1;
	s3 =	sadd.s32 s19, s18  }
0xa2: {  	s7 =	simm.s32 $0x0;
	s20 =	sshll.u32 s5, $0x1;
	s5 =	sadd.s32 s21, s3  }
0xa3: {  	[timem:s7], [sflag:s22] =	dma.local [hbm:s5], s20  }
0xa4: {  	_ =	swait.ge [sflag:s22], s20  }
0xa5: {  	s4 =	ssub.s32 $0x0, s20;
	[sflag:s22] =	ssyncset.done $0x0  }
0xa6: {  	[sflag:s22] =	ssyncadd.s32 s4;
	_ =	sdelay $0x1  }
0xa7: {  	s23 =	simm.s32 $0x1B8B  }
0xa8: {  	_ =	swait.ge [sflag:s23], $0x1  }
0xa9: {  	[sflag:s23] =	ssyncset.done $0x0  }
0xaa: {  	s25 =	simm.s32 $0x1B8E;
	s24 =	sld [smem:$0x3FFE];
	[sflag:s23] =	ssyncadd.s32 $0xFFFFFFFF  }
0xab: {  	s26 =	simm.s32 $execute0_lowered;
	[smem:$0x3FD2] =	sst s25  }
0xac: {  	s5 =	sshll.u32 s26, $0x1;
	_ =	strace $0x80000046;
	[dreg:$0x1] =	wrdreg $0xFFFFFFFF  }
0xad: {  	s28 =	simm.s32 $_size_execute0_lowered;
	s3 =	sadd.s32 s3, s5;
	[dreg:$0x0] =	wrdreg $0x0  }
0xae: {  	s5 =	sshll.u32 s28, $0x1;
	[dreg:$0x2] =	wrdreg s3  }
0xaf: {  	[dreg:$0x3] =	wrdreg s5  }
0xb0: {  	[dreg:$0x4] =	wrdreg $0xC0  }
0xb1: {  	_ =	task [dreg:s7], $0x5FFFF  }
0xb2: {  	[dreg:$0x1] =	wrdreg $0xFFFFFFFF  }
0xb3: {  	[dreg:$0x0] =	wrdreg $0x60  }
0xb4: {  	[dreg:$0x2] =	wrdreg s24  }
0xb5: {  	[dreg:$0x3] =	wrdreg s16  }
0xb6: {  	[dreg:$0x4] =	wrdreg $0x9  }
0xb7: {  	_ =	task.clear_ibuf [dreg:s7], $0x5FFFF;
	_ =	strace $0x90000046  }
0xb8: {  	s29 =	simm.s32 $0x9;
	_ =	strace $0x80000048  }
0xb9: {  	_ =	swait.ge [sflag:s29], $0x1  }
0xba: {  	[sflag:s29] =	ssyncadd.s32 $0xFFFFFFFF  }
0xbb: {  	_ =	strace $0x90000048  }
0xbc: {  	_ =	sfence  }
0xbd: {  	s30 =	sld [smem:$0x0];
	_ =	sdelay $0x2  }
0xbe: {  	s31 =	sshll.u32 s1, $0xD;
	s1 =	sshrl.u32 s1, $0x2  }
0xbf: {  	s3 =	sand.u32 $0x4000, s31;
	s1 =	sadd.s32 s1, s30  }
0xc0: {  	s0 =	sor.u32 s3, s0;
	s1 =	sshll.u32 s1, $0x11  }
0xc1: {  	s0 =	sor.u32 s1, s0  }
0xc2: {  	s0 =	sadd.s32 $0x8F2B, s0  }
0xc3: {  	[sflag:s0] =	ssyncadd.remote.s32 $0x1  }
0xc4: {  	_ =	sfence.sel $0xFFFF  }
0xc5: {  	[dreg:$0x0] =	wrdreg $0xFFFFFFFF;
	(pc) =	sbr.abs _section_cstart, $3  }
0xc6: {  	[dreg:$0x1] =	wrdreg $0xFFFFFFFF  }
0xc7: {  	_ =	task.clear_ibuf [dreg:s7], $0x2FFFF;
	_ =	strace $0x9FFFFFFF  }
0xc8: {  	(tm) =	ssettm $0x7FFFFFFF  }
0xc9: {  	_ =	shalt  }
tec
execute0_lowered:
.L_overlay_start_1:
0x0: {  	(tag) =	ssettag $0x1  }
0x1: {  	s0 =	rddreg [dreg:$0x0]  }
0x2: {  	s1 =	rddreg [dreg:$0x1];
	s2 =	simm.s32 $0x0  }
0x3: {  	s3 =	srdreg.scid;
	s4 =	stileid.u32;
	s10 =	simm.s32 $0x1  }
0x4: {  	s11 =	simm.s32 $0x80;
	s12 =	simm.s32 $0x1000;
	s20 =	simm.s32 $0xF000  }
0x5: {  	s21 =	simm.s32 $0x680;
	s22 =	simm.s32 $0x7800;
	s23 =	simm.s32 $0xE80  }
0x6: {  	s24 =	simm.s32 $0xF800;
	s25 =	simm.s32 $0x700;
	s26 =	simm.s32 $0x8000  }
0x7: {  	s28 =	simm.s32 $0xF00;
	s29 =	simm.s32 $0x10000;
	s30 =	simm.s32 $0x780  }
0x8: {  	s31 =	simm.s32 $0x8800;
	s13 =	simm.s32 $0x2;
	s14 =	simm.s32 $0x3  }
0x9: {  	s15 =	simm.s32 $0x4;
	s16 =	simm.s32 $0x0;
	[smem:$0x7FF] =	sst s2  }
0xa: {  	s5 =	sand.u32 $0x1, s3;
	s3 =	sadd.s32 $0x83C00, s0;
	s6 =	sshll.u32 s4, $0xC  }
0xb: {  	s4 =	sadd.s32 $0x2C00, s0;
	s7 =	sshll.u32 s5, $0xB;
	s5 =	ssub.s32 $0x2, s5  }
0xc: {  	_ =	strace $0x80000047;
	s6 =	sor.u32 s7, s6;
	s8 =	sshrl.u32 s5, $0x1  }
0xd: {  	s7 =	sshrl.u32 s6, $0x3;
	s6 =	sshll.u32 s6, $0x1;
	s8 =	ssub.s32 s5, s8  }
0xe: {  	s9 =	sadd.s32 s7, s0;
	s0 =	sadd.s32 s6, s0;
	s5 =	sadd.s32 s1, s7  }
0xf: {  	s8 =	smax.u32 s8, $0x1;
	s1 =	simm.s32 $0x10800;
	s6 =	sadd.s32 $0xC00, s9  }
0x10: {  	s7 =	sadd.s32 $0x3C00, s0;
	s9 =	simm.s32 $0x800;
	s0 =	simm.s32 $0xF80  }
.LBB2_1:
0x11: {  	[tilespmem:s2], [sflag:$0x1] =	stream.linear.gather [hbm4b:s5+s2], $0x800, $0x38;
	[tilespmem:$0x11000] =	vst v63  }
0x12: {  	_ = 	snop  }
0x13: {  	[tilespmem:s9], [sflag:$0x1] =	stream.linear.gather [hbm4b:s6+s2], $0x800, $0x38;
	[tilespmem:$0x11000] =	vst v63  }
0x14: {  	_ =	swait.ge [sflag:s10], $0x800  }
0x15: {  	[sflag:s10] =	ssyncset.done $0x0  }
0x16: {  	[sflag:s10] =	ssyncadd.s32 $0xFFFFF800  }
0x17: {  	_ =	swait.ge [sflag:s10], $0x800  }
0x18: {  	[sflag:s10] =	ssyncset.done $0x0  }
0x19: {  	[sflag:s10] =	ssyncadd.s32 $0xFFFFF800  }
0x1a: {  	[tilespmem:s12], [sflag:$0x2] =	stream.indirect.gather [hbm4b:s3+s11], $0x10, s2, s11, $0xb8;
	[tilespmem:$0x11000] =	vst v63  }
0x1b: {  	s17 =	simm.s32 $0x9000  }
0x1c: {  	[tilespmem:s17], [sflag:$0x3] =	stream.indirect.gather [hbm4b:s4+s11], $0x10, s9, s11, $0xb8;
	[tilespmem:$0x11000] =	vst v63  }
0x1d: {  	s18 =	simm.s32 $0x1800  }
0x1e: {  	[tilespmem:s18], [sflag:$0x2] =	stream.indirect.gather [hbm4b:s3+s11], $0x10, s11, s11, $0xb8;
	[tilespmem:$0x11000] =	vst v63  }
0x1f: {  	s19 =	simm.s32 $0x880;
	s18 =	simm.s32 $0x9800  }
0x20: {  	[tilespmem:s18], [sflag:$0x3] =	stream.indirect.gather [hbm4b:s4+s11], $0x10, s19, s11, $0xb8;
	[tilespmem:$0x11000] =	vst v63  }
0x21: {  	s18 =	simm.s32 $0x100;
	s19 =	simm.s32 $0x2000  }
0x22: {  	[tilespmem:s19], [sflag:$0x2] =	stream.indirect.gather [hbm4b:s3+s11], $0x10, s18, s11, $0xb8;
	[tilespmem:$0x11000] =	vst v63  }
0x23: {  	s18 =	simm.s32 $0x900;
	s19 =	simm.s32 $0xA000  }
0x24: {  	[tilespmem:s19], [sflag:$0x3] =	stream.indirect.gather [hbm4b:s4+s11], $0x10, s18, s11, $0xb8;
	[tilespmem:$0x11000] =	vst v63  }
0x25: {  	s18 =	simm.s32 $0x180;
	s19 =	simm.s32 $0x2800  }
0x26: {  	[tilespmem:s19], [sflag:$0x2] =	stream.indirect.gather [hbm4b:s3+s11], $0x10, s18, s11, $0xb8;
	[tilespmem:$0x11000] =	vst v63  }
0x27: {  	s18 =	simm.s32 $0x980;
	s19 =	simm.s32 $0xA800  }
0x28: {  	[tilespmem:s19], [sflag:$0x3] =	stream.indirect.gather [hbm4b:s4+s11], $0x10, s18, s11, $0xb8;
	[tilespmem:$0x11000] =	vst v63  }
0x29: {  	s18 =	simm.s32 $0x200;
	s19 =	simm.s32 $0x3000  }
0x2a: {  	[tilespmem:s19], [sflag:$0x2] =	stream.indirect.gather [hbm4b:s3+s11], $0x10, s18, s11, $0xb8;
	[tilespmem:$0x11000] =	vst v63  }
0x2b: {  	s18 =	simm.s32 $0xA00;
	s19 =	simm.s32 $0xB000  }
0x2c: {  	[tilespmem:s19], [sflag:$0x3] =	stream.indirect.gather [hbm4b:s4+s11], $0x10, s18, s11, $0xb8;
	[tilespmem:$0x11000] =	vst v63  }
0x2d: {  	s18 =	simm.s32 $0x280;
	s19 =	simm.s32 $0x3800  }
0x2e: {  	[tilespmem:s19], [sflag:$0x2] =	stream.indirect.gather [hbm4b:s3+s11], $0x10, s18, s11, $0xb8;
	[tilespmem:$0x11000] =	vst v63  }
0x2f: {  	s18 =	simm.s32 $0xA80;
	s19 =	simm.s32 $0xB800  }
0x30: {  	[tilespmem:s19], [sflag:$0x3] =	stream.indirect.gather [hbm4b:s4+s11], $0x10, s18, s11, $0xb8;
	[tilespmem:$0x11000] =	vst v63  }
0x31: {  	s18 =	simm.s32 $0x300;
	s19 =	simm.s32 $0x4000  }
0x32: {  	[tilespmem:s19], [sflag:$0x2] =	stream.indirect.gather [hbm4b:s3+s11], $0x10, s18, s11, $0xb8;
	[tilespmem:$0x11000] =	vst v63  }
0x33: {  	s18 =	simm.s32 $0xB00;
	s19 =	simm.s32 $0xC000  }
0x34: {  	[tilespmem:s19], [sflag:$0x3] =	stream.indirect.gather [hbm4b:s4+s11], $0x10, s18, s11, $0xb8;
	[tilespmem:$0x11000] =	vst v63  }
0x35: {  	s18 =	simm.s32 $0x380;
	s19 =	simm.s32 $0x4800  }
0x36: {  	[tilespmem:s19], [sflag:$0x2] =	stream.indirect.gather [hbm4b:s3+s11], $0x10, s18, s11, $0xb8;
	[tilespmem:$0x11000] =	vst v63  }
0x37: {  	s18 =	simm.s32 $0xB80;
	s19 =	simm.s32 $0xC800  }
0x38: {  	[tilespmem:s19], [sflag:$0x3] =	stream.indirect.gather [hbm4b:s4+s11], $0x10, s18, s11, $0xb8;
	[tilespmem:$0x11000] =	vst v63  }
0x39: {  	s18 =	simm.s32 $0x400;
	s19 =	simm.s32 $0x5000  }
0x3a: {  	[tilespmem:s19], [sflag:$0x2] =	stream.indirect.gather [hbm4b:s3+s11], $0x10, s18, s11, $0xb8;
	[tilespmem:$0x11000] =	vst v63  }
0x3b: {  	s18 =	simm.s32 $0xC00;
	s19 =	simm.s32 $0xD000  }
0x3c: {  	[tilespmem:s19], [sflag:$0x3] =	stream.indirect.gather [hbm4b:s4+s11], $0x10, s18, s11, $0xb8;
	[tilespmem:$0x11000] =	vst v63  }
0x3d: {  	s18 =	simm.s32 $0x480;
	s19 =	simm.s32 $0x5800  }
0x3e: {  	[tilespmem:s19], [sflag:$0x2] =	stream.indirect.gather [hbm4b:s3+s11], $0x10, s18, s11, $0xb8;
	[tilespmem:$0x11000] =	vst v63  }
0x3f: {  	s18 =	simm.s32 $0xC80;
	s19 =	simm.s32 $0xD800  }
0x40: {  	[tilespmem:s19], [sflag:$0x3] =	stream.indirect.gather [hbm4b:s4+s11], $0x10, s18, s11, $0xb8;
	[tilespmem:$0x11000] =	vst v63  }
0x41: {  	s18 =	simm.s32 $0x500;
	s19 =	simm.s32 $0x6000  }
0x42: {  	[tilespmem:s19], [sflag:$0x2] =	stream.indirect.gather [hbm4b:s3+s11], $0x10, s18, s11, $0xb8;
	[tilespmem:$0x11000] =	vst v63  }
0x43: {  	s18 =	simm.s32 $0xD00;
	s19 =	simm.s32 $0xE000  }
0x44: {  	[tilespmem:s19], [sflag:$0x3] =	stream.indirect.gather [hbm4b:s4+s11], $0x10, s18, s11, $0xb8;
	[tilespmem:$0x11000] =	vst v63  }
0x45: {  	s18 =	simm.s32 $0x580;
	s19 =	simm.s32 $0x6800  }
0x46: {  	[tilespmem:s19], [sflag:$0x2] =	stream.indirect.gather [hbm4b:s3+s11], $0x10, s18, s11, $0xb8;
	[tilespmem:$0x11000] =	vst v63  }
0x47: {  	s18 =	simm.s32 $0xD80;
	s19 =	simm.s32 $0xE800  }
0x48: {  	[tilespmem:s19], [sflag:$0x3] =	stream.indirect.gather [hbm4b:s4+s11], $0x10, s18, s11, $0xb8;
	[tilespmem:$0x11000] =	vst v63  }
0x49: {  	s18 =	simm.s32 $0x600;
	s19 =	simm.s32 $0x7000  }
0x4a: {  	[tilespmem:s19], [sflag:$0x2] =	stream.indirect.gather [hbm4b:s3+s11], $0x10, s18, s11, $0xb8;
	[tilespmem:$0x11000] =	vst v63  }
0x4b: {  	s19 =	simm.s32 $0xE00  }
0x4c: {  	[tilespmem:s20], [sflag:$0x3] =	stream.indirect.gather [hbm4b:s4+s11], $0x10, s19, s11, $0xb8;
	[tilespmem:$0x11000] =	vst v63  }
0x4d: {  	_ = 	snop  }
0x4e: {  	[tilespmem:s22], [sflag:$0x2] =	stream.indirect.gather [hbm4b:s3+s11], $0x10, s21, s11, $0xb8;
	[tilespmem:$0x11000] =	vst v63  }
0x4f: {  	_ = 	snop  }
0x50: {  	[tilespmem:s24], [sflag:$0x3] =	stream.indirect.gather [hbm4b:s4+s11], $0x10, s23, s11, $0xb8;
	[tilespmem:$0x11000] =	vst v63  }
0x51: {  	_ = 	snop  }
0x52: {  	[tilespmem:s26], [sflag:$0x2] =	stream.indirect.gather [hbm4b:s3+s11], $0x10, s25, s11, $0xb8;
	[tilespmem:$0x11000] =	vst v63  }
0x53: {  	_ = 	snop  }
0x54: {  	[tilespmem:s29], [sflag:$0x3] =	stream.indirect.gather [hbm4b:s4+s11], $0x10, s28, s11, $0xb8;
	[tilespmem:$0x11000] =	vst v63  }
0x55: {  	_ = 	snop  }
0x56: {  	[tilespmem:s31], [sflag:$0x2] =	stream.indirect.gather [hbm4b:s3+s11], $0x10, s30, s11, $0xb8;
	[tilespmem:$0x11000] =	vst v63  }
0x57: {  	_ = 	snop  }
0x58: {  	[tilespmem:s1], [sflag:$0x3] =	stream.indirect.gather [hbm4b:s4+s11], $0x10, s0, s11, $0xb8;
	[tilespmem:$0x11000] =	vst v63  }
0x59: {  	_ =	swait.ge [sflag:s13], $0x800  }
0x5a: {  	[sflag:s13] =	ssyncset.done $0x0  }
0x5b: {  	[sflag:s13] =	ssyncadd.s32 $0xFFFFF800  }
0x5c: {  	_ =	swait.ge [sflag:s14], $0x800  }
0x5d: {  	[sflag:s14] =	ssyncset.done $0x0  }
0x5e: {  	[sflag:s14] =	ssyncadd.s32 $0xFFFFF800  }
0x5f: {  	_ =	swait.ge [sflag:s13], $0x800  }
0x60: {  	[sflag:s13] =	ssyncset.done $0x0  }
0x61: {  	[sflag:s13] =	ssyncadd.s32 $0xFFFFF800  }
0x62: {  	_ =	swait.ge [sflag:s14], $0x800  }
0x63: {  	[sflag:s14] =	ssyncset.done $0x0  }
0x64: {  	[sflag:s14] =	ssyncadd.s32 $0xFFFFF800  }
0x65: {  	_ =	swait.ge [sflag:s13], $0x800  }
0x66: {  	[sflag:s13] =	ssyncset.done $0x0  }
0x67: {  	[sflag:s13] =	ssyncadd.s32 $0xFFFFF800  }
0x68: {  	_ =	swait.ge [sflag:s14], $0x800  }
0x69: {  	[sflag:s14] =	ssyncset.done $0x0  }
0x6a: {  	[sflag:s14] =	ssyncadd.s32 $0xFFFFF800  }
0x6b: {  	_ =	swait.ge [sflag:s13], $0x800  }
0x6c: {  	[sflag:s13] =	ssyncset.done $0x0  }
0x6d: {  	[sflag:s13] =	ssyncadd.s32 $0xFFFFF800  }
0x6e: {  	_ =	swait.ge [sflag:s14], $0x800  }
0x6f: {  	[sflag:s14] =	ssyncset.done $0x0  }
0x70: {  	[sflag:s14] =	ssyncadd.s32 $0xFFFFF800  }
0x71: {  	_ =	swait.ge [sflag:s13], $0x800  }
0x72: {  	[sflag:s13] =	ssyncset.done $0x0  }
0x73: {  	[sflag:s13] =	ssyncadd.s32 $0xFFFFF800  }
0x74: {  	_ =	swait.ge [sflag:s14], $0x800  }
0x75: {  	[sflag:s14] =	ssyncset.done $0x0  }
0x76: {  	[sflag:s14] =	ssyncadd.s32 $0xFFFFF800  }
0x77: {  	_ =	swait.ge [sflag:s13], $0x800  }
0x78: {  	[sflag:s13] =	ssyncset.done $0x0  }
0x79: {  	[sflag:s13] =	ssyncadd.s32 $0xFFFFF800  }
0x7a: {  	_ =	swait.ge [sflag:s14], $0x800  }
0x7b: {  	[sflag:s14] =	ssyncset.done $0x0  }
0x7c: {  	[sflag:s14] =	ssyncadd.s32 $0xFFFFF800  }
0x7d: {  	_ =	swait.ge [sflag:s13], $0x800  }
0x7e: {  	[sflag:s13] =	ssyncset.done $0x0  }
0x7f: {  	[sflag:s13] =	ssyncadd.s32 $0xFFFFF800  }
0x80: {  	_ =	swait.ge [sflag:s14], $0x800  }
0x81: {  	[sflag:s14] =	ssyncset.done $0x0  }
0x82: {  	[sflag:s14] =	ssyncadd.s32 $0xFFFFF800  }
0x83: {  	_ =	swait.ge [sflag:s13], $0x800  }
0x84: {  	[sflag:s13] =	ssyncset.done $0x0  }
0x85: {  	[sflag:s13] =	ssyncadd.s32 $0xFFFFF800  }
0x86: {  	_ =	swait.ge [sflag:s14], $0x800  }
0x87: {  	[sflag:s14] =	ssyncset.done $0x0  }
0x88: {  	[sflag:s14] =	ssyncadd.s32 $0xFFFFF800  }
0x89: {  	_ =	swait.ge [sflag:s13], $0x800  }
0x8a: {  	[sflag:s13] =	ssyncset.done $0x0  }
0x8b: {  	[sflag:s13] =	ssyncadd.s32 $0xFFFFF800  }
0x8c: {  	_ =	swait.ge [sflag:s14], $0x800  }
0x8d: {  	[sflag:s14] =	ssyncset.done $0x0  }
0x8e: {  	[sflag:s14] =	ssyncadd.s32 $0xFFFFF800  }
0x8f: {  	_ =	swait.ge [sflag:s13], $0x800  }
0x90: {  	[sflag:s13] =	ssyncset.done $0x0  }
0x91: {  	[sflag:s13] =	ssyncadd.s32 $0xFFFFF800  }
0x92: {  	_ =	swait.ge [sflag:s14], $0x800  }
0x93: {  	[sflag:s14] =	ssyncset.done $0x0  }
0x94: {  	[sflag:s14] =	ssyncadd.s32 $0xFFFFF800  }
0x95: {  	_ =	swait.ge [sflag:s13], $0x800  }
0x96: {  	[sflag:s13] =	ssyncset.done $0x0  }
0x97: {  	[sflag:s13] =	ssyncadd.s32 $0xFFFFF800  }
0x98: {  	_ =	swait.ge [sflag:s14], $0x800  }
0x99: {  	[sflag:s14] =	ssyncset.done $0x0  }
0x9a: {  	[sflag:s14] =	ssyncadd.s32 $0xFFFFF800  }
0x9b: {  	_ =	swait.ge [sflag:s13], $0x800  }
0x9c: {  	[sflag:s13] =	ssyncset.done $0x0  }
0x9d: {  	[sflag:s13] =	ssyncadd.s32 $0xFFFFF800  }
0x9e: {  	_ =	swait.ge [sflag:s14], $0x800  }
0x9f: {  	[sflag:s14] =	ssyncset.done $0x0  }
0xa0: {  	[sflag:s14] =	ssyncadd.s32 $0xFFFFF800  }
0xa1: {  	_ =	swait.ge [sflag:s13], $0x800  }
0xa2: {  	[sflag:s13] =	ssyncset.done $0x0  }
0xa3: {  	[sflag:s13] =	ssyncadd.s32 $0xFFFFF800  }
0xa4: {  	_ =	swait.ge [sflag:s14], $0x800  }
0xa5: {  	[sflag:s14] =	ssyncset.done $0x0  }
0xa6: {  	[sflag:s14] =	ssyncadd.s32 $0xFFFFF800  }
0xa7: {  	_ =	swait.ge [sflag:s13], $0x800  }
0xa8: {  	[sflag:s13] =	ssyncset.done $0x0  }
0xa9: {  	[sflag:s13] =	ssyncadd.s32 $0xFFFFF800  }
0xaa: {  	_ =	swait.ge [sflag:s14], $0x800  }
0xab: {  	[sflag:s14] =	ssyncset.done $0x0  }
0xac: {  	[sflag:s14] =	ssyncadd.s32 $0xFFFFF800  }
0xad: {  	_ =	swait.ge [sflag:s13], $0x800  }
0xae: {  	[sflag:s13] =	ssyncset.done $0x0  }
0xaf: {  	[sflag:s13] =	ssyncadd.s32 $0xFFFFF800  }
0xb0: {  	_ =	swait.ge [sflag:s14], $0x800  }
0xb1: {  	[sflag:s14] =	ssyncset.done $0x0  }
0xb2: {  	[sflag:s14] =	ssyncadd.s32 $0xFFFFF800  }
0xb3: {  	_ =	swait.ge [sflag:s13], $0x800  }
0xb4: {  	[sflag:s13] =	ssyncset.done $0x0  }
0xb5: {  	[sflag:s13] =	ssyncadd.s32 $0xFFFFF800  }
0xb6: {  	_ =	swait.ge [sflag:s14], $0x800  }
0xb7: {  	[sflag:s14] =	ssyncset.done $0x0  }
0xb8: {  	s17 =	simm.s32 $0x0;
	[sflag:s14] =	ssyncadd.s32 $0xFFFFF800  }
0xb9: {  	s18 =	simm.s32 $0x40;
	v0 =	vld [tilespmem:s17+$0x9000]  }
.LBB2_2:
0xba: {  	p0 =	sne.s32 s18, $0x1FFC0;
	v1 =	vld [tilespmem:s17+$0x1000];
	_ =	sdelay $0x2  }
.Ltmp0:
0xbb: {  	(pc) =	sbr.rel @p0 .LBB2_2-.Ltmp0, $4  }
0xbc: {  	_ = 	snop  }
0xbd: {  	v1 =	vadd.f32 v0, v1  }
0xbe: {  	s19 =	sshra.s32 s18, $0x2  }
0xbf: {  	s18 =	sadd.s32 $0x40, s18;
	v0 =	vld [tilespmem:s19+$0x9000];
	[tilespmem:s17+$0x1000] =	vst v1;
	s17 =	smov.u32 s19  }
0xc0: {  	v1 =	vld [tilespmem:s17+$0x1000];
	_ =	sdelay $0x4  }
0xc1: {  	s16 =	sadd.s32 $0x1, s16;
	v0 =	vadd.f32 v0, v1  }
0xc2: {  	p0 =	sne.s32 s16, s8  }
.Ltmp1:
0xc3: {  	[tilespmem:s17+$0x1000] =	vst v0;
	(pc) =	sbr.rel @p0 .LBB2_1-.Ltmp1, $4  }
0xc4: {  	[hbm4b:s7+s2] =	stream.linear.scatter [tilespmem:s12], [sflag:$0x4], $0x8000, $0x38;
	[tilespmem:$0x11000] =	vst v63  }
0xc5: {  	_ =	swait.ge [sflag:s15], $0x8000  }
0xc6: {  	[sflag:s15] =	ssyncset.done $0x0  }
0xc7: {  	[sflag:s15] =	ssyncadd.s32 $0xFFFF8000  }
0xc8: {  	_ =	sfence.sel $0x180000  }
0xc9: {  	[bflag:$0x0] =	sbarrier.arrive $0xFFFF  }
0xca: {  	_ =	strace $0x90000047  }
0xcb: {  	s0 =	stileid.u32;
	[bflag:$0x2] =	sbarrier.arrive $0xFFFF  }
0xcc: {  	p0 =	sne.s32 s0, $0x0;
	s0 =	rddreg [dreg:$0x2]  }
0xcd: {  	s0 =	sadd.s32 @!p0 $0x100000, s0  }
0xce: {  	[sflag:s0] =	ssyncadd.tile.s32 @!p0 $0x1;
	_ =	shalt  }
.Lfunc_end2:
_tile_overlayer_lowered:
.L_overlay_start_2:
0xcf: {  	(tag) =	ssettag $0x2  }
0xd0: {  	s0 =	rddreg [dreg:$0x0];
	s2 =	stileid.u32  }
0xd1: {  	s1 =	rddreg [dreg:$0x1];
	p0 =	sne.s32 s2, $0x0  }
0xd2: {  	s3 =	rddreg [dreg:$0x2];
	[bflag:$0x3] =	sbarrier.arrive $0xFFFF;
	s2 =	simm.s32 @!p0 $0x1C04  }
0xd3: {  	[timem:s3], [sflag:s2] =	dma.local @!p0 [hbm:s0], s1  }
0xd4: {  	s0 =	simm.s32 @!p0 $0x4  }
0xd5: {  	_ =	swait.ge @!p0 [sflag:s0], s1  }
0xd6: {  	s1 =	ssub.s32 @!p0 $0x0, s1;
	[sflag:s0] =	ssyncset.done @!p0 $0x0  }
0xd7: {  	[sflag:s0] =	ssyncadd.s32 @!p0 s1  }
0xd8: {  	[bflag:$0x3] =	sbarrier.arrive $0xFFFF  }
0xd9: {  	_ =	shalt  }

</sc_bundles>
